<compile_context>
chip_gen: v7x
topology: tpu7x:2x2x1
jax: 0.10.2.dev20260603
libtpu: 0.0.44.dev20260713+nightly
codegen_flags: <defaults>
</compile_context>

<pallas_src>
import functools

import jax
import jax.numpy as jnp
from jax import lax
from jax.experimental import pallas as pl
from jax.experimental.pallas import tpu as pltpu
from jax.experimental.pallas import tpu_sc as plsc

B = 16384
D = 128
S = 10
NC, NS = 2, 16
NW = NC * NS
C = 128
RPW = B // NW
KCH = RPW // C
NCHUNK = B // C
LANES = 16

_sc_mesh = plsc.VectorSubcoreMesh(core_axis_name="c", subcore_axis_name="s")


@functools.partial(
    pl.kernel,
    out_type=(
        jax.ShapeDtypeStruct((B, D), jnp.float32),
        jax.ShapeDtypeStruct((B, D), jnp.float32),
    ),
    mesh=_sc_mesh,
    scratch_types=[
        pltpu.VMEM((C,), jnp.int32),
        pltpu.VMEM((C,), jnp.int32),
        pltpu.VMEM((S, C), jnp.int32),
        pltpu.VMEM((S, C), jnp.int32),
        pltpu.VMEM((C, D), jnp.float32),
        pltpu.VMEM((C, D), jnp.float32),
        pltpu.VMEM((C, D), jnp.float32),
        pltpu.VMEM((C, D), jnp.float32),
        pltpu.SemaphoreType.DMA,
        pltpu.SemaphoreType.DMA,
        pltpu.SemaphoreType.DMA,
        pltpu.SemaphoreType.DMA,
        pltpu.SemaphoreType.DMA,
        pltpu.SemaphoreType.DMA,
        pltpu.SemaphoreType.DMA,
        pltpu.SemaphoreType.DMA,
    ],
)
def _sc_gather_sum(nodes_hbm, nidx_hbm, feat_hbm, self_out, nsum_out,
                   si0, si1, ni0, ni1, sb0, sb1, acc0, acc1,
                   g0, g1, s0, s1, a0, a1, i0, i1):
    wid = lax.axis_index("s") * NC + lax.axis_index("c")
    sidx = [si0, si1]
    nidx = [ni0, ni1]
    sbuf = [sb0, sb1]
    acc = [acc0, acc1]
    gsem = [g0, g1]
    ssem = [s0, s1]
    asem = [a0, a1]
    isem = [i0, i1]

    def prefetch_idx(k, b):
        g = wid * KCH + k
        return [
            pltpu.async_copy(nodes_hbm.at[pl.ds(g * C, C)], sidx[b], isem[b]),
            pltpu.async_copy(nidx_hbm.at[g], nidx[b], isem[b]),
        ]

    def fire_gathers(b):
        copies = [pltpu.async_copy(feat_hbm.at[sidx[b]], sbuf[b], gsem[b])]
        for j in range(S):
            copies.append(
                pltpu.async_copy(
                    feat_hbm.at[nidx[b].at[j]],
                    acc[b],
                    gsem[b],
                    add=True,
                )
            )
        return copies

    zv = jnp.zeros((LANES,), jnp.float32)

    def zero_acc(b):
        dst = acc[b]

        def row_body(r, carry):
            for l in range(D // LANES):
                dst[r, pl.ds(l * LANES, LANES)] = zv
            return carry

        lax.fori_loop(0, C, row_body, 0, unroll=False)

    pend_gather = [None, None]
    pend_out = [None, None]

    for cp in prefetch_idx(0, 0):
        cp.wait()
    zero_acc(0)
    pend_gather[0] = fire_gathers(0)
    pend_idx = prefetch_idx(1, 1) if KCH > 1 else None
    for k in range(KCH):
        b = k % 2
        nb = 1 - b
        if k + 1 < KCH:
            if pend_out[nb] is not None:
                for cp in pend_out[nb]:
                    cp.wait()
                pend_out[nb] = None
            zero_acc(nb)
            for cp in pend_idx:
                cp.wait()
            pend_gather[nb] = fire_gathers(nb)
        for cp in pend_gather[b]:
            cp.wait()
        if k + 2 < KCH:
            pend_idx = prefetch_idx(k + 2, b)
        base = (wid * KCH + k) * C
        sd = pltpu.async_copy(sbuf[b], self_out.at[pl.ds(base, C)], ssem[b])
        ad = pltpu.async_copy(acc[b], nsum_out.at[pl.ds(base, C)], asem[b])
        pend_out[b] = (sd, ad)

    for b in range(2):
        if pend_out[b] is not None:
            for cp in pend_out[b]:
                cp.wait()


def _tc_body(self_ref, nsum_ref, ws_ref, wn_ref, out_ref):
    z = lax.dot_general(
        ws_ref[...], self_ref[...], (((1,), (1,)), ((), ())),
        preferred_element_type=jnp.float32,
    )
    z += lax.dot_general(
        wn_ref[...], nsum_ref[...], (((1,), (1,)), ((), ())),
        preferred_element_type=jnp.float32,
    )
    out_ref[...] = jnp.maximum(z, 0.0)


_BT = 8192


@jax.jit
def kernel(nodes, neigh_idx, features, weight):
    nodes = nodes.astype(jnp.int32)
    neigh_idx = neigh_idx.astype(jnp.int32)
    nidx_chunks = neigh_idx.reshape(NCHUNK, C, S).transpose(0, 2, 1)

    self_feats, nsum = _sc_gather_sum(nodes, nidx_chunks, features)

    w_self = weight[:, :D]
    w_neigh = weight[:, D:] * (1.0 / S)

    out = pl.pallas_call(
        _tc_body,
        grid=(B // _BT,),
        in_specs=[
            pl.BlockSpec((_BT, D), lambda i: (i, 0)),
            pl.BlockSpec((_BT, D), lambda i: (i, 0)),
            pl.BlockSpec((D, D), lambda i: (0, 0)),
            pl.BlockSpec((D, D), lambda i: (0, 0)),
        ],
        out_specs=pl.BlockSpec((D, _BT), lambda i: (0, i)),
        out_shape=jax.ShapeDtypeStruct((D, B), jnp.float32),
    )(self_feats, nsum, w_self, w_neigh)
    return out

# --- scband reference (transcript-rebuilt; emitter-appended) ---
"""Pipeline reference for scband-encoder-13443247637090 (READ-ONLY COPY).

The authoritative reference and input builder live on the scoring server;
editing this copy changes nothing except your own understanding.
"""

import jax, jax.numpy as jnp
import numpy as np

N_NODES = 100000
FEAT_DIM = 128
EMBED_DIM = 128
BATCH = 16384
NUM_SAMPLE = 10

def setup_inputs(seed: int = 0) -> dict:
    key = jax.random.key(seed)
    k1, k2, k3, k4 = jax.random.split(key, 4)
    nodes = jax.random.randint(k1, (BATCH,), 0, N_NODES, dtype=jnp.int64) if jax.config.jax_enable_x64 else jax.random.randint(k1, (BATCH,), 0, N_NODES).astype(jnp.int32)
    neigh_idx = jax.random.randint(k2, (BATCH, NUM_SAMPLE), 0, N_NODES).astype(nodes.dtype)
    features = jax.random.normal(k3, (N_NODES, FEAT_DIM), dtype=jnp.float32)
    # xavier_uniform for weight [embed_dim, 2*feat_dim]
    fan_in, fan_out = 2 * FEAT_DIM, EMBED_DIM
    bound = float(np.sqrt(6.0 / (fan_in + fan_out)))
    weight = jax.random.uniform(k4, (EMBED_DIM, 2 * FEAT_DIM), minval=-bound, maxval=bound, dtype=jnp.float32)
    return {"nodes": nodes, "neigh_idx": neigh_idx, "features": features, "weight": weight}

def reference(nodes, neigh_idx, features, weight):
    # MeanAggregator: gather sampled neighbor features and average
    neigh_feats = jnp.take(features, neigh_idx, axis=0).mean(axis=1)  # [B, feat_dim]
    # self features (gcn=False path)
    self_feats = jnp.take(features, nodes, axis=0)  # [B, feat_dim]
    combined = jnp.concatenate([self_feats, neigh_feats], axis=1)  # [B, 2*feat_dim]
    out = jax.nn.relu(weight @ combined.T)  # [embed_dim, B]
    return out

if __name__ == "__main__":
    import jax
    _d = setup_inputs()
    print(jax.jit(kernel)(*tuple(_d.values())))

</pallas_src>

<mosaic_0001>
#map = affine_map<(d0, d1) -> (0)>
#map1 = affine_map<(d0, d1) -> (0, 0, 0)>
#map2 = affine_map<(d0, d1) -> (0, 0)>
module attributes {stable_mosaic.version = 14 : i64} {
  func.func @_sc_gather_sum(%arg0: i32, %arg1: i32, %arg2: memref<16384xi32, #tpu.memory_space<hbm>>, %arg3: memref<128x10x128xi32, #tpu.memory_space<hbm>>, %arg4: memref<100000x128xf32, #tpu.memory_space<hbm>>, %arg5: memref<16384x128xf32, #tpu.memory_space<hbm>>, %arg6: memref<16384x128xf32, #tpu.memory_space<hbm>>, %arg7: memref<128xi32, #tpu.memory_space<vmem>>, %arg8: memref<128xi32, #tpu.memory_space<vmem>>, %arg9: memref<10x128xi32, #tpu.memory_space<vmem>>, %arg10: memref<10x128xi32, #tpu.memory_space<vmem>>, %arg11: memref<128x128xf32, #tpu.memory_space<vmem>>, %arg12: memref<128x128xf32, #tpu.memory_space<vmem>>, %arg13: memref<128x128xf32, #tpu.memory_space<vmem>>, %arg14: memref<128x128xf32, #tpu.memory_space<vmem>>, %arg15: memref<!tpu.dma_semaphore, #tpu.memory_space<semaphore_mem>>, %arg16: memref<!tpu.dma_semaphore, #tpu.memory_space<semaphore_mem>>, %arg17: memref<!tpu.dma_semaphore, #tpu.memory_space<semaphore_mem>>, %arg18: memref<!tpu.dma_semaphore, #tpu.memory_space<semaphore_mem>>, %arg19: memref<!tpu.dma_semaphore, #tpu.memory_space<semaphore_mem>>, %arg20: memref<!tpu.dma_semaphore, #tpu.memory_space<semaphore_mem>>, %arg21: memref<!tpu.dma_semaphore, #tpu.memory_space<semaphore_mem>>, %arg22: memref<!tpu.dma_semaphore, #tpu.memory_space<semaphore_mem>>) attributes {dimension_semantics = [#tpu.dimension_semantics<core_parallel>, #tpu.dimension_semantics<subcore_parallel>], iteration_bounds = array<i64: 2, 16>, scalar_prefetch = 0 : i64, scratch_operands = 16 : i64, tpu.core_type = #tpu.core_type<sc_vector_subcore>, window_params = [{transform_indices = #map}, {transform_indices = #map1}, {transform_indices = #map2}, {transform_indices = #map2}, {transform_indices = #map2}]} {
    %mul3A = arith.constant 2 : i32
    %mul3A_0 = arith.muli %arg1, %mul3A : i32
    %add3A = arith.addi %mul3A_0, %arg0 : i32
    %broadcast_in_dim3A = arith.constant 0.000000e+00 : f32
    %broadcast_in_dim3A_1 = vector.broadcast %broadcast_in_dim3A : f32 to vector<16xf32>
    %mul3A_2 = arith.constant 4 : i32
    %mul3A_3 = arith.muli %add3A, %mul3A_2 : i32
    %add3A_4 = arith.constant 0 : i32
    %add3A_5 = arith.addi %mul3A_3, %add3A_4 : i32
    %mul3A_6 = arith.constant 128 : i32
    %mul3A_7 = arith.muli %add3A_5, %mul3A_6 : i32
    %dma_start3A = tpu.memref_slice %arg2[%mul3A_7] : memref<16384xi32, #tpu.memory_space<hbm>> -> memref<128xi32, #tpu.memory_space<hbm>>
    %dma_start3A_8 = tpu.memref_slice %arg2[%mul3A_7] : memref<16384xi32, #tpu.memory_space<hbm>> -> memref<128xi32, #tpu.memory_space<hbm>>
    tpu.enqueue_dma source(%dma_start3A_8 : memref<128xi32, #tpu.memory_space<hbm>>) target(%arg7 : memref<128xi32, #tpu.memory_space<vmem>>) target_semaphore(%arg21 : memref<!tpu.dma_semaphore, #tpu.memory_space<semaphore_mem>>)
    %dma_start3A_9 = arith.constant 0 : i32
    %dma_start3A_10 = arith.constant 0 : i32
    %dma_start3A_11 = tpu.memref_slice %arg3[%add3A_5, %dma_start3A_9, %dma_start3A_10] : memref<128x10x128xi32, #tpu.memory_space<hbm>> -> memref<1x10x128xi32, #tpu.memory_space<hbm>>
    %dma_start3A_12 = tpu.memref_squeeze %dma_start3A_11 : memref<1x10x128xi32, #tpu.memory_space<hbm>> -> memref<10x128xi32, #tpu.memory_space<hbm>>
    %dma_start3A_13 = arith.constant 0 : i32
    %dma_start3A_14 = arith.constant 0 : i32
    %dma_start3A_15 = tpu.memref_slice %arg3[%add3A_5, %dma_start3A_13, %dma_start3A_14] : memref<128x10x128xi32, #tpu.memory_space<hbm>> -> memref<1x10x128xi32, #tpu.memory_space<hbm>>
    %dma_start3A_16 = tpu.memref_squeeze %dma_start3A_15 : memref<1x10x128xi32, #tpu.memory_space<hbm>> -> memref<10x128xi32, #tpu.memory_space<hbm>>
    tpu.enqueue_dma source(%dma_start3A_16 : memref<10x128xi32, #tpu.memory_space<hbm>>) target(%arg9 : memref<10x128xi32, #tpu.memory_space<vmem>>) target_semaphore(%arg21 : memref<!tpu.dma_semaphore, #tpu.memory_space<semaphore_mem>>)
    %dma_wait3A = tpu.memref_slice %arg2[%mul3A_7] : memref<16384xi32, #tpu.memory_space<hbm>> -> memref<128xi32, #tpu.memory_space<hbm>>
    %dma_wait3A_17 = tpu.memref_slice %arg2[%mul3A_7] : memref<16384xi32, #tpu.memory_space<hbm>> -> memref<128xi32, #tpu.memory_space<hbm>>
    tpu.wait_dma2 semaphore(%arg21 : memref<!tpu.dma_semaphore, #tpu.memory_space<semaphore_mem>>) src(%dma_wait3A_17 : memref<128xi32, #tpu.memory_space<hbm>>) dst(%arg7 : memref<128xi32, #tpu.memory_space<vmem>>)
    %dma_wait3A_18 = arith.constant 0 : i32
    %dma_wait3A_19 = arith.constant 0 : i32
    %dma_wait3A_20 = tpu.memref_slice %arg3[%add3A_5, %dma_wait3A_18, %dma_wait3A_19] : memref<128x10x128xi32, #tpu.memory_space<hbm>> -> memref<1x10x128xi32, #tpu.memory_space<hbm>>
    %dma_wait3A_21 = tpu.memref_squeeze %dma_wait3A_20 : memref<1x10x128xi32, #tpu.memory_space<hbm>> -> memref<10x128xi32, #tpu.memory_space<hbm>>
    %dma_wait3A_22 = arith.constant 0 : i32
    %dma_wait3A_23 = arith.constant 0 : i32
    %dma_wait3A_24 = tpu.memref_slice %arg3[%add3A_5, %dma_wait3A_22, %dma_wait3A_23] : memref<128x10x128xi32, #tpu.memory_space<hbm>> -> memref<1x10x128xi32, #tpu.memory_space<hbm>>
    %dma_wait3A_25 = tpu.memref_squeeze %dma_wait3A_24 : memref<1x10x128xi32, #tpu.memory_space<hbm>> -> memref<10x128xi32, #tpu.memory_space<hbm>>
    tpu.wait_dma2 semaphore(%arg21 : memref<!tpu.dma_semaphore, #tpu.memory_space<semaphore_mem>>) src(%dma_wait3A_25 : memref<10x128xi32, #tpu.memory_space<hbm>>) dst(%arg9 : memref<10x128xi32, #tpu.memory_space<vmem>>)
    %scan3A = arith.constant 0 : i32
    %scan3A_26 = arith.constant 0 : i32
    %scan3A_27 = arith.constant 128 : i32
    %scan3A_28 = arith.addi %scan3A_26, %scan3A_27 : i32
    %scan3A_29 = arith.constant 1 : i32
    scf.for %scan3A_799 = %scan3A_26 to %scan3A_28 step %scan3A_29  : i32 {
      %swap3A = arith.index_cast %scan3A_799 : i32 to index
      %swap3A_800 = arith.constant 0 : index
      %swap3A_801 = tpu.vector_load %arg13[%swap3A, %swap3A_800] {strides = array<i32>} : memref<128x128xf32, #tpu.memory_space<vmem>>, vector<1x16xf32>,
      %swap3A_802 = vector.shape_cast %swap3A_801 : vector<1x16xf32> to vector<16xf32>
      %swap3A_803 = vector.shape_cast %broadcast_in_dim3A_1 : vector<16xf32> to vector<1x16xf32>
      tpu.vector_store %arg13[%swap3A, %swap3A_800], %swap3A_803 {strides = array<i32>} : memref<128x128xf32, #tpu.memory_space<vmem>>, vector<1x16xf32>,
      %swap3A_804 = arith.index_cast %scan3A_799 : i32 to index
      %swap3A_805 = arith.constant 16 : index
      %swap3A_806 = tpu.vector_load %arg13[%swap3A_804, %swap3A_805] {strides = array<i32>} : memref<128x128xf32, #tpu.memory_space<vmem>>, vector<1x16xf32>,
      %swap3A_807 = vector.shape_cast %swap3A_806 : vector<1x16xf32> to vector<16xf32>
      %swap3A_808 = vector.shape_cast %broadcast_in_dim3A_1 : vector<16xf32> to vector<1x16xf32>
      tpu.vector_store %arg13[%swap3A_804, %swap3A_805], %swap3A_808 {strides = array<i32>} : memref<128x128xf32, #tpu.memory_space<vmem>>, vector<1x16xf32>,
      %swap3A_809 = arith.index_cast %scan3A_799 : i32 to index
      %swap3A_810 = arith.constant 32 : index
      %swap3A_811 = tpu.vector_load %arg13[%swap3A_809, %swap3A_810] {strides = array<i32>} : memref<128x128xf32, #tpu.memory_space<vmem>>, vector<1x16xf32>,
      %swap3A_812 = vector.shape_cast %swap3A_811 : vector<1x16xf32> to vector<16xf32>
      %swap3A_813 = vector.shape_cast %broadcast_in_dim3A_1 : vector<16xf32> to vector<1x16xf32>
      tpu.vector_store %arg13[%swap3A_809, %swap3A_810], %swap3A_813 {strides = array<i32>} : memref<128x128xf32, #tpu.memory_space<vmem>>, vector<1x16xf32>,
      %swap3A_814 = arith.index_cast %scan3A_799 : i32 to index
      %swap3A_815 = arith.constant 48 : index
      %swap3A_816 = tpu.vector_load %arg13[%swap3A_814, %swap3A_815] {strides = array<i32>} : memref<128x128xf32, #tpu.memory_space<vmem>>, vector<1x16xf32>,
      %swap3A_817 = vector.shape_cast %swap3A_816 : vector<1x16xf32> to vector<16xf32>
      %swap3A_818 = vector.shape_cast %broadcast_in_dim3A_1 : vector<16xf32> to vector<1x16xf32>
      tpu.vector_store %arg13[%swap3A_814, %swap3A_815], %swap3A_818 {strides = array<i32>} : memref<128x128xf32, #tpu.memory_space<vmem>>, vector<1x16xf32>,
      %swap3A_819 = arith.index_cast %scan3A_799 : i32 to index
      %swap3A_820 = arith.constant 64 : index
      %swap3A_821 = tpu.vector_load %arg13[%swap3A_819, %swap3A_820] {strides = array<i32>} : memref<128x128xf32, #tpu.memory_space<vmem>>, vector<1x16xf32>,
      %swap3A_822 = vector.shape_cast %swap3A_821 : vector<1x16xf32> to vector<16xf32>
      %swap3A_823 = vector.shape_cast %broadcast_in_dim3A_1 : vector<16xf32> to vector<1x16xf32>
      tpu.vector_store %arg13[%swap3A_819, %swap3A_820], %swap3A_823 {strides = array<i32>} : memref<128x128xf32, #tpu.memory_space<vmem>>, vector<1x16xf32>,
      %swap3A_824 = arith.index_cast %scan3A_799 : i32 to index
      %swap3A_825 = arith.constant 80 : index
      %swap3A_826 = tpu.vector_load %arg13[%swap3A_824, %swap3A_825] {strides = array<i32>} : memref<128x128xf32, #tpu.memory_space<vmem>>, vector<1x16xf32>,
      %swap3A_827 = vector.shape_cast %swap3A_826 : vector<1x16xf32> to vector<16xf32>
      %swap3A_828 = vector.shape_cast %broadcast_in_dim3A_1 : vector<16xf32> to vector<1x16xf32>
      tpu.vector_store %arg13[%swap3A_824, %swap3A_825], %swap3A_828 {strides = array<i32>} : memref<128x128xf32, #tpu.memory_space<vmem>>, vector<1x16xf32>,
      %swap3A_829 = arith.index_cast %scan3A_799 : i32 to index
      %swap3A_830 = arith.constant 96 : index
      %swap3A_831 = tpu.vector_load %arg13[%swap3A_829, %swap3A_830] {strides = array<i32>} : memref<128x128xf32, #tpu.memory_space<vmem>>, vector<1x16xf32>,
      %swap3A_832 = vector.shape_cast %swap3A_831 : vector<1x16xf32> to vector<16xf32>
      %swap3A_833 = vector.shape_cast %broadcast_in_dim3A_1 : vector<16xf32> to vector<1x16xf32>
      tpu.vector_store %arg13[%swap3A_829, %swap3A_830], %swap3A_833 {strides = array<i32>} : memref<128x128xf32, #tpu.memory_space<vmem>>, vector<1x16xf32>,
      %swap3A_834 = arith.index_cast %scan3A_799 : i32 to index
      %swap3A_835 = arith.constant 112 : index
      %swap3A_836 = tpu.vector_load %arg13[%swap3A_834, %swap3A_835] {strides = array<i32>} : memref<128x128xf32, #tpu.memory_space<vmem>>, vector<1x16xf32>,
      %swap3A_837 = vector.shape_cast %swap3A_836 : vector<1x16xf32> to vector<16xf32>
      %swap3A_838 = vector.shape_cast %broadcast_in_dim3A_1 : vector<16xf32> to vector<1x16xf32>
      tpu.vector_store %arg13[%swap3A_834, %swap3A_835], %swap3A_838 {strides = array<i32>} : memref<128x128xf32, #tpu.memory_space<vmem>>, vector<1x16xf32>,
    }
    %scan3A_30 = arith.constant 128 : i32
    %dma_start3A_31 = arith.constant 0 : i32
    %dma_start3A_32 = arith.constant 0 : i32
    %dma_start3A_33 = tpu.memref_slice %arg4[%dma_start3A_31, %dma_start3A_32] : memref<100000x128xf32, #tpu.memory_space<hbm>> -> memref<100000x128xf32, #tpu.memory_space<hbm>>
    tpu.enqueue_indirect_dma source(%dma_start3A_33 : memref<100000x128xf32, #tpu.memory_space<hbm>>) target(%arg11 : memref<128x128xf32, #tpu.memory_space<vmem>>) offsets(%arg7 : memref<128xi32, #tpu.memory_space<vmem>>) semaphore(%arg15 : memref<!tpu.dma_semaphore, #tpu.memory_space<semaphore_mem>>)
    %dma_start3A_34 = arith.constant 0 : i32
    %dma_start3A_35 = arith.constant 0 : i32
    %dma_start3A_36 = tpu.memref_slice %arg9[%dma_start3A_34, %dma_start3A_35] : memref<10x128xi32, #tpu.memory_space<vmem>> -> memref<1x128xi32, #tpu.memory_space<vmem>>
    %dma_start3A_37 = tpu.memref_squeeze %dma_start3A_36 : memref<1x128xi32, #tpu.memory_space<vmem>> -> memref<128xi32, #tpu.memory_space<vmem>>
    %dma_start3A_38 = arith.constant 0 : i32
    %dma_start3A_39 = arith.constant 0 : i32
    %dma_start3A_40 = tpu.memref_slice %arg4[%dma_start3A_38, %dma_start3A_39] : memref<100000x128xf32, #tpu.memory_space<hbm>> -> memref<100000x128xf32, #tpu.memory_space<hbm>>
    tpu.enqueue_indirect_dma source(%dma_start3A_40 : memref<100000x128xf32, #tpu.memory_space<hbm>>) target(%arg13 : memref<128x128xf32, #tpu.memory_space<vmem>>) offsets(%dma_start3A_37 : memref<128xi32, #tpu.memory_space<vmem>>) semaphore(%arg15 : memref<!tpu.dma_semaphore, #tpu.memory_space<semaphore_mem>>) {add = true}
    %dma_start3A_41 = arith.constant 1 : i32
    %dma_start3A_42 = arith.constant 0 : i32
    %dma_start3A_43 = tpu.memref_slice %arg9[%dma_start3A_41, %dma_start3A_42] : memref<10x128xi32, #tpu.memory_space<vmem>> -> memref<1x128xi32, #tpu.memory_space<vmem>>
    %dma_start3A_44 = tpu.memref_squeeze %dma_start3A_43 : memref<1x128xi32, #tpu.memory_space<vmem>> -> memref<128xi32, #tpu.memory_space<vmem>>
    %dma_start3A_45 = arith.constant 0 : i32
    %dma_start3A_46 = arith.constant 0 : i32
    %dma_start3A_47 = tpu.memref_slice %arg4[%dma_start3A_45, %dma_start3A_46] : memref<100000x128xf32, #tpu.memory_space<hbm>> -> memref<100000x128xf32, #tpu.memory_space<hbm>>
    tpu.enqueue_indirect_dma source(%dma_start3A_47 : memref<100000x128xf32, #tpu.memory_space<hbm>>) target(%arg13 : memref<128x128xf32, #tpu.memory_space<vmem>>) offsets(%dma_start3A_44 : memref<128xi32, #tpu.memory_space<vmem>>) semaphore(%arg15 : memref<!tpu.dma_semaphore, #tpu.memory_space<semaphore_mem>>) {add = true}
    %dma_start3A_48 = arith.constant 2 : i32
    %dma_start3A_49 = arith.constant 0 : i32
    %dma_start3A_50 = tpu.memref_slice %arg9[%dma_start3A_48, %dma_start3A_49] : memref<10x128xi32, #tpu.memory_space<vmem>> -> memref<1x128xi32, #tpu.memory_space<vmem>>
    %dma_start3A_51 = tpu.memref_squeeze %dma_start3A_50 : memref<1x128xi32, #tpu.memory_space<vmem>> -> memref<128xi32, #tpu.memory_space<vmem>>
    %dma_start3A_52 = arith.constant 0 : i32
    %dma_start3A_53 = arith.constant 0 : i32
    %dma_start3A_54 = tpu.memref_slice %arg4[%dma_start3A_52, %dma_start3A_53] : memref<100000x128xf32, #tpu.memory_space<hbm>> -> memref<100000x128xf32, #tpu.memory_space<hbm>>
    tpu.enqueue_indirect_dma source(%dma_start3A_54 : memref<100000x128xf32, #tpu.memory_space<hbm>>) target(%arg13 : memref<128x128xf32, #tpu.memory_space<vmem>>) offsets(%dma_start3A_51 : memref<128xi32, #tpu.memory_space<vmem>>) semaphore(%arg15 : memref<!tpu.dma_semaphore, #tpu.memory_space<semaphore_mem>>) {add = true}
    %dma_start3A_55 = arith.constant 3 : i32
    %dma_start3A_56 = arith.constant 0 : i32
    %dma_start3A_57 = tpu.memref_slice %arg9[%dma_start3A_55, %dma_start3A_56] : memref<10x128xi32, #tpu.memory_space<vmem>> -> memref<1x128xi32, #tpu.memory_space<vmem>>
    %dma_start3A_58 = tpu.memref_squeeze %dma_start3A_57 : memref<1x128xi32, #tpu.memory_space<vmem>> -> memref<128xi32, #tpu.memory_space<vmem>>
    %dma_start3A_59 = arith.constant 0 : i32
    %dma_start3A_60 = arith.constant 0 : i32
    %dma_start3A_61 = tpu.memref_slice %arg4[%dma_start3A_59, %dma_start3A_60] : memref<100000x128xf32, #tpu.memory_space<hbm>> -> memref<100000x128xf32, #tpu.memory_space<hbm>>
    tpu.enqueue_indirect_dma source(%dma_start3A_61 : memref<100000x128xf32, #tpu.memory_space<hbm>>) target(%arg13 : memref<128x128xf32, #tpu.memory_space<vmem>>) offsets(%dma_start3A_58 : memref<128xi32, #tpu.memory_space<vmem>>) semaphore(%arg15 : memref<!tpu.dma_semaphore, #tpu.memory_space<semaphore_mem>>) {add = true}
    %dma_start3A_62 = arith.constant 4 : i32
    %dma_start3A_63 = arith.constant 0 : i32
    %dma_start3A_64 = tpu.memref_slice %arg9[%dma_start3A_62, %dma_start3A_63] : memref<10x128xi32, #tpu.memory_space<vmem>> -> memref<1x128xi32, #tpu.memory_space<vmem>>
    %dma_start3A_65 = tpu.memref_squeeze %dma_start3A_64 : memref<1x128xi32, #tpu.memory_space<vmem>> -> memref<128xi32, #tpu.memory_space<vmem>>
    %dma_start3A_66 = arith.constant 0 : i32
    %dma_start3A_67 = arith.constant 0 : i32
    %dma_start3A_68 = tpu.memref_slice %arg4[%dma_start3A_66, %dma_start3A_67] : memref<100000x128xf32, #tpu.memory_space<hbm>> -> memref<100000x128xf32, #tpu.memory_space<hbm>>
    tpu.enqueue_indirect_dma source(%dma_start3A_68 : memref<100000x128xf32, #tpu.memory_space<hbm>>) target(%arg13 : memref<128x128xf32, #tpu.memory_space<vmem>>) offsets(%dma_start3A_65 : memref<128xi32, #tpu.memory_space<vmem>>) semaphore(%arg15 : memref<!tpu.dma_semaphore, #tpu.memory_space<semaphore_mem>>) {add = true}
    %dma_start3A_69 = arith.constant 5 : i32
    %dma_start3A_70 = arith.constant 0 : i32
    %dma_start3A_71 = tpu.memref_slice %arg9[%dma_start3A_69, %dma_start3A_70] : memref<10x128xi32, #tpu.memory_space<vmem>> -> memref<1x128xi32, #tpu.memory_space<vmem>>
    %dma_start3A_72 = tpu.memref_squeeze %dma_start3A_71 : memref<1x128xi32, #tpu.memory_space<vmem>> -> memref<128xi32, #tpu.memory_space<vmem>>
    %dma_start3A_73 = arith.constant 0 : i32
    %dma_start3A_74 = arith.constant 0 : i32
    %dma_start3A_75 = tpu.memref_slice %arg4[%dma_start3A_73, %dma_start3A_74] : memref<100000x128xf32, #tpu.memory_space<hbm>> -> memref<100000x128xf32, #tpu.memory_space<hbm>>
    tpu.enqueue_indirect_dma source(%dma_start3A_75 : memref<100000x128xf32, #tpu.memory_space<hbm>>) target(%arg13 : memref<128x128xf32, #tpu.memory_space<vmem>>) offsets(%dma_start3A_72 : memref<128xi32, #tpu.memory_space<vmem>>) semaphore(%arg15 : memref<!tpu.dma_semaphore, #tpu.memory_space<semaphore_mem>>) {add = true}
    %dma_start3A_76 = arith.constant 6 : i32
    %dma_start3A_77 = arith.constant 0 : i32
    %dma_start3A_78 = tpu.memref_slice %arg9[%dma_start3A_76, %dma_start3A_77] : memref<10x128xi32, #tpu.memory_space<vmem>> -> memref<1x128xi32, #tpu.memory_space<vmem>>
    %dma_start3A_79 = tpu.memref_squeeze %dma_start3A_78 : memref<1x128xi32, #tpu.memory_space<vmem>> -> memref<128xi32, #tpu.memory_space<vmem>>
    %dma_start3A_80 = arith.constant 0 : i32
    %dma_start3A_81 = arith.constant 0 : i32
    %dma_start3A_82 = tpu.memref_slice %arg4[%dma_start3A_80, %dma_start3A_81] : memref<100000x128xf32, #tpu.memory_space<hbm>> -> memref<100000x128xf32, #tpu.memory_space<hbm>>
    tpu.enqueue_indirect_dma source(%dma_start3A_82 : memref<100000x128xf32, #tpu.memory_space<hbm>>) target(%arg13 : memref<128x128xf32, #tpu.memory_space<vmem>>) offsets(%dma_start3A_79 : memref<128xi32, #tpu.memory_space<vmem>>) semaphore(%arg15 : memref<!tpu.dma_semaphore, #tpu.memory_space<semaphore_mem>>) {add = true}
    %dma_start3A_83 = arith.constant 7 : i32
    %dma_start3A_84 = arith.constant 0 : i32
    %dma_start3A_85 = tpu.memref_slice %arg9[%dma_start3A_83, %dma_start3A_84] : memref<10x128xi32, #tpu.memory_space<vmem>> -> memref<1x128xi32, #tpu.memory_space<vmem>>
    %dma_start3A_86 = tpu.memref_squeeze %dma_start3A_85 : memref<1x128xi32, #tpu.memory_space<vmem>> -> memref<128xi32, #tpu.memory_space<vmem>>
    %dma_start3A_87 = arith.constant 0 : i32
    %dma_start3A_88 = arith.constant 0 : i32
    %dma_start3A_89 = tpu.memref_slice %arg4[%dma_start3A_87, %dma_start3A_88] : memref<100000x128xf32, #tpu.memory_space<hbm>> -> memref<100000x128xf32, #tpu.memory_space<hbm>>
    tpu.enqueue_indirect_dma source(%dma_start3A_89 : memref<100000x128xf32, #tpu.memory_space<hbm>>) target(%arg13 : memref<128x128xf32, #tpu.memory_space<vmem>>) offsets(%dma_start3A_86 : memref<128xi32, #tpu.memory_space<vmem>>) semaphore(%arg15 : memref<!tpu.dma_semaphore, #tpu.memory_space<semaphore_mem>>) {add = true}
    %dma_start3A_90 = arith.constant 8 : i32
    %dma_start3A_91 = arith.constant 0 : i32
    %dma_start3A_92 = tpu.memref_slice %arg9[%dma_start3A_90, %dma_start3A_91] : memref<10x128xi32, #tpu.memory_space<vmem>> -> memref<1x128xi32, #tpu.memory_space<vmem>>
    %dma_start3A_93 = tpu.memref_squeeze %dma_start3A_92 : memref<1x128xi32, #tpu.memory_space<vmem>> -> memref<128xi32, #tpu.memory_space<vmem>>
    %dma_start3A_94 = arith.constant 0 : i32
    %dma_start3A_95 = arith.constant 0 : i32
    %dma_start3A_96 = tpu.memref_slice %arg4[%dma_start3A_94, %dma_start3A_95] : memref<100000x128xf32, #tpu.memory_space<hbm>> -> memref<100000x128xf32, #tpu.memory_space<hbm>>
    tpu.enqueue_indirect_dma source(%dma_start3A_96 : memref<100000x128xf32, #tpu.memory_space<hbm>>) target(%arg13 : memref<128x128xf32, #tpu.memory_space<vmem>>) offsets(%dma_start3A_93 : memref<128xi32, #tpu.memory_space<vmem>>) semaphore(%arg15 : memref<!tpu.dma_semaphore, #tpu.memory_space<semaphore_mem>>) {add = true}
    %dma_start3A_97 = arith.constant 9 : i32
    %dma_start3A_98 = arith.constant 0 : i32
    %dma_start3A_99 = tpu.memref_slice %arg9[%dma_start3A_97, %dma_start3A_98] : memref<10x128xi32, #tpu.memory_space<vmem>> -> memref<1x128xi32, #tpu.memory_space<vmem>>
    %dma_start3A_100 = tpu.memref_squeeze %dma_start3A_99 : memref<1x128xi32, #tpu.memory_space<vmem>> -> memref<128xi32, #tpu.memory_space<vmem>>
    %dma_start3A_101 = arith.constant 0 : i32
    %dma_start3A_102 = arith.constant 0 : i32
    %dma_start3A_103 = tpu.memref_slice %arg4[%dma_start3A_101, %dma_start3A_102] : memref<100000x128xf32, #tpu.memory_space<hbm>> -> memref<100000x128xf32, #tpu.memory_space<hbm>>
    tpu.enqueue_indirect_dma source(%dma_start3A_103 : memref<100000x128xf32, #tpu.memory_space<hbm>>) target(%arg13 : memref<128x128xf32, #tpu.memory_space<vmem>>) offsets(%dma_start3A_100 : memref<128xi32, #tpu.memory_space<vmem>>) semaphore(%arg15 : memref<!tpu.dma_semaphore, #tpu.memory_space<semaphore_mem>>) {add = true}
    %mul3A_104 = arith.constant 4 : i32
    %mul3A_105 = arith.muli %add3A, %mul3A_104 : i32
    %add3A_106 = arith.constant 1 : i32
    %add3A_107 = arith.addi %mul3A_105, %add3A_106 : i32
    %mul3A_108 = arith.constant 128 : i32
    %mul3A_109 = arith.muli %add3A_107, %mul3A_108 : i32
    %dma_start3A_110 = tpu.memref_slice %arg2[%mul3A_109] : memref<16384xi32, #tpu.memory_space<hbm>> -> memref<128xi32, #tpu.memory_space<hbm>>
    %dma_start3A_111 = tpu.memref_slice %arg2[%mul3A_109] : memref<16384xi32, #tpu.memory_space<hbm>> -> memref<128xi32, #tpu.memory_space<hbm>>
    tpu.enqueue_dma source(%dma_start3A_111 : memref<128xi32, #tpu.memory_space<hbm>>) target(%arg8 : memref<128xi32, #tpu.memory_space<vmem>>) target_semaphore(%arg22 : memref<!tpu.dma_semaphore, #tpu.memory_space<semaphore_mem>>)
    %dma_start3A_112 = arith.constant 0 : i32
    %dma_start3A_113 = arith.constant 0 : i32
    %dma_start3A_114 = tpu.memref_slice %arg3[%add3A_107, %dma_start3A_112, %dma_start3A_113] : memref<128x10x128xi32, #tpu.memory_space<hbm>> -> memref<1x10x128xi32, #tpu.memory_space<hbm>>
    %dma_start3A_115 = tpu.memref_squeeze %dma_start3A_114 : memref<1x10x128xi32, #tpu.memory_space<hbm>> -> memref<10x128xi32, #tpu.memory_space<hbm>>
    %dma_start3A_116 = arith.constant 0 : i32
    %dma_start3A_117 = arith.constant 0 : i32
    %dma_start3A_118 = tpu.memref_slice %arg3[%add3A_107, %dma_start3A_116, %dma_start3A_117] : memref<128x10x128xi32, #tpu.memory_space<hbm>> -> memref<1x10x128xi32, #tpu.memory_space<hbm>>
    %dma_start3A_119 = tpu.memref_squeeze %dma_start3A_118 : memref<1x10x128xi32, #tpu.memory_space<hbm>> -> memref<10x128xi32, #tpu.memory_space<hbm>>
    tpu.enqueue_dma source(%dma_start3A_119 : memref<10x128xi32, #tpu.memory_space<hbm>>) target(%arg10 : memref<10x128xi32, #tpu.memory_space<vmem>>) target_semaphore(%arg22 : memref<!tpu.dma_semaphore, #tpu.memory_space<semaphore_mem>>)
    %scan3A_120 = arith.constant 0 : i32
    %scan3A_121 = arith.constant 0 : i32
    %scan3A_122 = arith.constant 128 : i32
    %scan3A_123 = arith.addi %scan3A_121, %scan3A_122 : i32
    %scan3A_124 = arith.constant 1 : i32
    scf.for %scan3A_799 = %scan3A_121 to %scan3A_123 step %scan3A_124  : i32 {
      %swap3A = arith.index_cast %scan3A_799 : i32 to index
      %swap3A_800 = arith.constant 0 : index
      %swap3A_801 = tpu.vector_load %arg14[%swap3A, %swap3A_800] {strides = array<i32>} : memref<128x128xf32, #tpu.memory_space<vmem>>, vector<1x16xf32>,
      %swap3A_802 = vector.shape_cast %swap3A_801 : vector<1x16xf32> to vector<16xf32>
      %swap3A_803 = vector.shape_cast %broadcast_in_dim3A_1 : vector<16xf32> to vector<1x16xf32>
      tpu.vector_store %arg14[%swap3A, %swap3A_800], %swap3A_803 {strides = array<i32>} : memref<128x128xf32, #tpu.memory_space<vmem>>, vector<1x16xf32>,
      %swap3A_804 = arith.index_cast %scan3A_799 : i32 to index
      %swap3A_805 = arith.constant 16 : index
      %swap3A_806 = tpu.vector_load %arg14[%swap3A_804, %swap3A_805] {strides = array<i32>} : memref<128x128xf32, #tpu.memory_space<vmem>>, vector<1x16xf32>,
      %swap3A_807 = vector.shape_cast %swap3A_806 : vector<1x16xf32> to vector<16xf32>
      %swap3A_808 = vector.shape_cast %broadcast_in_dim3A_1 : vector<16xf32> to vector<1x16xf32>
      tpu.vector_store %arg14[%swap3A_804, %swap3A_805], %swap3A_808 {strides = array<i32>} : memref<128x128xf32, #tpu.memory_space<vmem>>, vector<1x16xf32>,
      %swap3A_809 = arith.index_cast %scan3A_799 : i32 to index
      %swap3A_810 = arith.constant 32 : index
      %swap3A_811 = tpu.vector_load %arg14[%swap3A_809, %swap3A_810] {strides = array<i32>} : memref<128x128xf32, #tpu.memory_space<vmem>>, vector<1x16xf32>,
      %swap3A_812 = vector.shape_cast %swap3A_811 : vector<1x16xf32> to vector<16xf32>
      %swap3A_813 = vector.shape_cast %broadcast_in_dim3A_1 : vector<16xf32> to vector<1x16xf32>
      tpu.vector_store %arg14[%swap3A_809, %swap3A_810], %swap3A_813 {strides = array<i32>} : memref<128x128xf32, #tpu.memory_space<vmem>>, vector<1x16xf32>,
      %swap3A_814 = arith.index_cast %scan3A_799 : i32 to index
      %swap3A_815 = arith.constant 48 : index
      %swap3A_816 = tpu.vector_load %arg14[%swap3A_814, %swap3A_815] {strides = array<i32>} : memref<128x128xf32, #tpu.memory_space<vmem>>, vector<1x16xf32>,
      %swap3A_817 = vector.shape_cast %swap3A_816 : vector<1x16xf32> to vector<16xf32>
      %swap3A_818 = vector.shape_cast %broadcast_in_dim3A_1 : vector<16xf32> to vector<1x16xf32>
      tpu.vector_store %arg14[%swap3A_814, %swap3A_815], %swap3A_818 {strides = array<i32>} : memref<128x128xf32, #tpu.memory_space<vmem>>, vector<1x16xf32>,
      %swap3A_819 = arith.index_cast %scan3A_799 : i32 to index
      %swap3A_820 = arith.constant 64 : index
      %swap3A_821 = tpu.vector_load %arg14[%swap3A_819, %swap3A_820] {strides = array<i32>} : memref<128x128xf32, #tpu.memory_space<vmem>>, vector<1x16xf32>,
      %swap3A_822 = vector.shape_cast %swap3A_821 : vector<1x16xf32> to vector<16xf32>
      %swap3A_823 = vector.shape_cast %broadcast_in_dim3A_1 : vector<16xf32> to vector<1x16xf32>
      tpu.vector_store %arg14[%swap3A_819, %swap3A_820], %swap3A_823 {strides = array<i32>} : memref<128x128xf32, #tpu.memory_space<vmem>>, vector<1x16xf32>,
      %swap3A_824 = arith.index_cast %scan3A_799 : i32 to index
      %swap3A_825 = arith.constant 80 : index
      %swap3A_826 = tpu.vector_load %arg14[%swap3A_824, %swap3A_825] {strides = array<i32>} : memref<128x128xf32, #tpu.memory_space<vmem>>, vector<1x16xf32>,
      %swap3A_827 = vector.shape_cast %swap3A_826 : vector<1x16xf32> to vector<16xf32>
      %swap3A_828 = vector.shape_cast %broadcast_in_dim3A_1 : vector<16xf32> to vector<1x16xf32>
      tpu.vector_store %arg14[%swap3A_824, %swap3A_825], %swap3A_828 {strides = array<i32>} : memref<128x128xf32, #tpu.memory_space<vmem>>, vector<1x16xf32>,
      %swap3A_829 = arith.index_cast %scan3A_799 : i32 to index
      %swap3A_830 = arith.constant 96 : index
      %swap3A_831 = tpu.vector_load %arg14[%swap3A_829, %swap3A_830] {strides = array<i32>} : memref<128x128xf32, #tpu.memory_space<vmem>>, vector<1x16xf32>,
      %swap3A_832 = vector.shape_cast %swap3A_831 : vector<1x16xf32> to vector<16xf32>
      %swap3A_833 = vector.shape_cast %broadcast_in_dim3A_1 : vector<16xf32> to vector<1x16xf32>
      tpu.vector_store %arg14[%swap3A_829, %swap3A_830], %swap3A_833 {strides = array<i32>} : memref<128x128xf32, #tpu.memory_space<vmem>>, vector<1x16xf32>,
      %swap3A_834 = arith.index_cast %scan3A_799 : i32 to index
      %swap3A_835 = arith.constant 112 : index
      %swap3A_836 = tpu.vector_load %arg14[%swap3A_834, %swap3A_835] {strides = array<i32>} : memref<128x128xf32, #tpu.memory_space<vmem>>, vector<1x16xf32>,
      %swap3A_837 = vector.shape_cast %swap3A_836 : vector<1x16xf32> to vector<16xf32>
      %swap3A_838 = vector.shape_cast %broadcast_in_dim3A_1 : vector<16xf32> to vector<1x16xf32>
      tpu.vector_store %arg14[%swap3A_834, %swap3A_835], %swap3A_838 {strides = array<i32>} : memref<128x128xf32, #tpu.memory_space<vmem>>, vector<1x16xf32>,
    }
    %scan3A_125 = arith.constant 128 : i32
    %dma_wait3A_126 = tpu.memref_slice %arg2[%mul3A_109] : memref<16384xi32, #tpu.memory_space<hbm>> -> memref<128xi32, #tpu.memory_space<hbm>>
    %dma_wait3A_127 = tpu.memref_slice %arg2[%mul3A_109] : memref<16384xi32, #tpu.memory_space<hbm>> -> memref<128xi32, #tpu.memory_space<hbm>>
    tpu.wait_dma2 semaphore(%arg22 : memref<!tpu.dma_semaphore, #tpu.memory_space<semaphore_mem>>) src(%dma_wait3A_127 : memref<128xi32, #tpu.memory_space<hbm>>) dst(%arg8 : memref<128xi32, #tpu.memory_space<vmem>>)
    %dma_wait3A_128 = arith.constant 0 : i32
    %dma_wait3A_129 = arith.constant 0 : i32
    %dma_wait3A_130 = tpu.memref_slice %arg3[%add3A_107, %dma_wait3A_128, %dma_wait3A_129] : memref<128x10x128xi32, #tpu.memory_space<hbm>> -> memref<1x10x128xi32, #tpu.memory_space<hbm>>
    %dma_wait3A_131 = tpu.memref_squeeze %dma_wait3A_130 : memref<1x10x128xi32, #tpu.memory_space<hbm>> -> memref<10x128xi32, #tpu.memory_space<hbm>>
    %dma_wait3A_132 = arith.constant 0 : i32
    %dma_wait3A_133 = arith.constant 0 : i32
    %dma_wait3A_134 = tpu.memref_slice %arg3[%add3A_107, %dma_wait3A_132, %dma_wait3A_133] : memref<128x10x128xi32, #tpu.memory_space<hbm>> -> memref<1x10x128xi32, #tpu.memory_space<hbm>>
    %dma_wait3A_135 = tpu.memref_squeeze %dma_wait3A_134 : memref<1x10x128xi32, #tpu.memory_space<hbm>> -> memref<10x128xi32, #tpu.memory_space<hbm>>
    tpu.wait_dma2 semaphore(%arg22 : memref<!tpu.dma_semaphore, #tpu.memory_space<semaphore_mem>>) src(%dma_wait3A_135 : memref<10x128xi32, #tpu.memory_space<hbm>>) dst(%arg10 : memref<10x128xi32, #tpu.memory_space<vmem>>)
    %dma_start3A_136 = arith.constant 0 : i32
    %dma_start3A_137 = arith.constant 0 : i32
    %dma_start3A_138 = tpu.memref_slice %arg4[%dma_start3A_136, %dma_start3A_137] : memref<100000x128xf32, #tpu.memory_space<hbm>> -> memref<100000x128xf32, #tpu.memory_space<hbm>>
    tpu.enqueue_indirect_dma source(%dma_start3A_138 : memref<100000x128xf32, #tpu.memory_space<hbm>>) target(%arg12 : memref<128x128xf32, #tpu.memory_space<vmem>>) offsets(%arg8 : memref<128xi32, #tpu.memory_space<vmem>>) semaphore(%arg16 : memref<!tpu.dma_semaphore, #tpu.memory_space<semaphore_mem>>)
    %dma_start3A_139 = arith.constant 0 : i32
    %dma_start3A_140 = arith.constant 0 : i32
    %dma_start3A_141 = tpu.memref_slice %arg10[%dma_start3A_139, %dma_start3A_140] : memref<10x128xi32, #tpu.memory_space<vmem>> -> memref<1x128xi32, #tpu.memory_space<vmem>>
    %dma_start3A_142 = tpu.memref_squeeze %dma_start3A_141 : memref<1x128xi32, #tpu.memory_space<vmem>> -> memref<128xi32, #tpu.memory_space<vmem>>
    %dma_start3A_143 = arith.constant 0 : i32
    %dma_start3A_144 = arith.constant 0 : i32
    %dma_start3A_145 = tpu.memref_slice %arg4[%dma_start3A_143, %dma_start3A_144] : memref<100000x128xf32, #tpu.memory_space<hbm>> -> memref<100000x128xf32, #tpu.memory_space<hbm>>
    tpu.enqueue_indirect_dma source(%dma_start3A_145 : memref<100000x128xf32, #tpu.memory_space<hbm>>) target(%arg14 : memref<128x128xf32, #tpu.memory_space<vmem>>) offsets(%dma_start3A_142 : memref<128xi32, #tpu.memory_space<vmem>>) semaphore(%arg16 : memref<!tpu.dma_semaphore, #tpu.memory_space<semaphore_mem>>) {add = true}
    %dma_start3A_146 = arith.constant 1 : i32
    %dma_start3A_147 = arith.constant 0 : i32
    %dma_start3A_148 = tpu.memref_slice %arg10[%dma_start3A_146, %dma_start3A_147] : memref<10x128xi32, #tpu.memory_space<vmem>> -> memref<1x128xi32, #tpu.memory_space<vmem>>
    %dma_start3A_149 = tpu.memref_squeeze %dma_start3A_148 : memref<1x128xi32, #tpu.memory_space<vmem>> -> memref<128xi32, #tpu.memory_space<vmem>>
    %dma_start3A_150 = arith.constant 0 : i32
    %dma_start3A_151 = arith.constant 0 : i32
    %dma_start3A_152 = tpu.memref_slice %arg4[%dma_start3A_150, %dma_start3A_151] : memref<100000x128xf32, #tpu.memory_space<hbm>> -> memref<100000x128xf32, #tpu.memory_space<hbm>>
    tpu.enqueue_indirect_dma source(%dma_start3A_152 : memref<100000x128xf32, #tpu.memory_space<hbm>>) target(%arg14 : memref<128x128xf32, #tpu.memory_space<vmem>>) offsets(%dma_start3A_149 : memref<128xi32, #tpu.memory_space<vmem>>) semaphore(%arg16 : memref<!tpu.dma_semaphore, #tpu.memory_space<semaphore_mem>>) {add = true}
    %dma_start3A_153 = arith.constant 2 : i32
    %dma_start3A_154 = arith.constant 0 : i32
    %dma_start3A_155 = tpu.memref_slice %arg10[%dma_start3A_153, %dma_start3A_154] : memref<10x128xi32, #tpu.memory_space<vmem>> -> memref<1x128xi32, #tpu.memory_space<vmem>>
    %dma_start3A_156 = tpu.memref_squeeze %dma_start3A_155 : memref<1x128xi32, #tpu.memory_space<vmem>> -> memref<128xi32, #tpu.memory_space<vmem>>
    %dma_start3A_157 = arith.constant 0 : i32
    %dma_start3A_158 = arith.constant 0 : i32
    %dma_start3A_159 = tpu.memref_slice %arg4[%dma_start3A_157, %dma_start3A_158] : memref<100000x128xf32, #tpu.memory_space<hbm>> -> memref<100000x128xf32, #tpu.memory_space<hbm>>
    tpu.enqueue_indirect_dma source(%dma_start3A_159 : memref<100000x128xf32, #tpu.memory_space<hbm>>) target(%arg14 : memref<128x128xf32, #tpu.memory_space<vmem>>) offsets(%dma_start3A_156 : memref<128xi32, #tpu.memory_space<vmem>>) semaphore(%arg16 : memref<!tpu.dma_semaphore, #tpu.memory_space<semaphore_mem>>) {add = true}
    %dma_start3A_160 = arith.constant 3 : i32
    %dma_start3A_161 = arith.constant 0 : i32
    %dma_start3A_162 = tpu.memref_slice %arg10[%dma_start3A_160, %dma_start3A_161] : memref<10x128xi32, #tpu.memory_space<vmem>> -> memref<1x128xi32, #tpu.memory_space<vmem>>
    %dma_start3A_163 = tpu.memref_squeeze %dma_start3A_162 : memref<1x128xi32, #tpu.memory_space<vmem>> -> memref<128xi32, #tpu.memory_space<vmem>>
    %dma_start3A_164 = arith.constant 0 : i32
    %dma_start3A_165 = arith.constant 0 : i32
    %dma_start3A_166 = tpu.memref_slice %arg4[%dma_start3A_164, %dma_start3A_165] : memref<100000x128xf32, #tpu.memory_space<hbm>> -> memref<100000x128xf32, #tpu.memory_space<hbm>>
    tpu.enqueue_indirect_dma source(%dma_start3A_166 : memref<100000x128xf32, #tpu.memory_space<hbm>>) target(%arg14 : memref<128x128xf32, #tpu.memory_space<vmem>>) offsets(%dma_start3A_163 : memref<128xi32, #tpu.memory_space<vmem>>) semaphore(%arg16 : memref<!tpu.dma_semaphore, #tpu.memory_space<semaphore_mem>>) {add = true}
    %dma_start3A_167 = arith.constant 4 : i32
    %dma_start3A_168 = arith.constant 0 : i32
    %dma_start3A_169 = tpu.memref_slice %arg10[%dma_start3A_167, %dma_start3A_168] : memref<10x128xi32, #tpu.memory_space<vmem>> -> memref<1x128xi32, #tpu.memory_space<vmem>>
    %dma_start3A_170 = tpu.memref_squeeze %dma_start3A_169 : memref<1x128xi32, #tpu.memory_space<vmem>> -> memref<128xi32, #tpu.memory_space<vmem>>
    %dma_start3A_171 = arith.constant 0 : i32
    %dma_start3A_172 = arith.constant 0 : i32
    %dma_start3A_173 = tpu.memref_slice %arg4[%dma_start3A_171, %dma_start3A_172] : memref<100000x128xf32, #tpu.memory_space<hbm>> -> memref<100000x128xf32, #tpu.memory_space<hbm>>
    tpu.enqueue_indirect_dma source(%dma_start3A_173 : memref<100000x128xf32, #tpu.memory_space<hbm>>) target(%arg14 : memref<128x128xf32, #tpu.memory_space<vmem>>) offsets(%dma_start3A_170 : memref<128xi32, #tpu.memory_space<vmem>>) semaphore(%arg16 : memref<!tpu.dma_semaphore, #tpu.memory_space<semaphore_mem>>) {add = true}
    %dma_start3A_174 = arith.constant 5 : i32
    %dma_start3A_175 = arith.constant 0 : i32
    %dma_start3A_176 = tpu.memref_slice %arg10[%dma_start3A_174, %dma_start3A_175] : memref<10x128xi32, #tpu.memory_space<vmem>> -> memref<1x128xi32, #tpu.memory_space<vmem>>
    %dma_start3A_177 = tpu.memref_squeeze %dma_start3A_176 : memref<1x128xi32, #tpu.memory_space<vmem>> -> memref<128xi32, #tpu.memory_space<vmem>>
    %dma_start3A_178 = arith.constant 0 : i32
    %dma_start3A_179 = arith.constant 0 : i32
    %dma_start3A_180 = tpu.memref_slice %arg4[%dma_start3A_178, %dma_start3A_179] : memref<100000x128xf32, #tpu.memory_space<hbm>> -> memref<100000x128xf32, #tpu.memory_space<hbm>>
    tpu.enqueue_indirect_dma source(%dma_start3A_180 : memref<100000x128xf32, #tpu.memory_space<hbm>>) target(%arg14 : memref<128x128xf32, #tpu.memory_space<vmem>>) offsets(%dma_start3A_177 : memref<128xi32, #tpu.memory_space<vmem>>) semaphore(%arg16 : memref<!tpu.dma_semaphore, #tpu.memory_space<semaphore_mem>>) {add = true}
    %dma_start3A_181 = arith.constant 6 : i32
    %dma_start3A_182 = arith.constant 0 : i32
    %dma_start3A_183 = tpu.memref_slice %arg10[%dma_start3A_181, %dma_start3A_182] : memref<10x128xi32, #tpu.memory_space<vmem>> -> memref<1x128xi32, #tpu.memory_space<vmem>>
    %dma_start3A_184 = tpu.memref_squeeze %dma_start3A_183 : memref<1x128xi32, #tpu.memory_space<vmem>> -> memref<128xi32, #tpu.memory_space<vmem>>
    %dma_start3A_185 = arith.constant 0 : i32
    %dma_start3A_186 = arith.constant 0 : i32
    %dma_start3A_187 = tpu.memref_slice %arg4[%dma_start3A_185, %dma_start3A_186] : memref<100000x128xf32, #tpu.memory_space<hbm>> -> memref<100000x128xf32, #tpu.memory_space<hbm>>
    tpu.enqueue_indirect_dma source(%dma_start3A_187 : memref<100000x128xf32, #tpu.memory_space<hbm>>) target(%arg14 : memref<128x128xf32, #tpu.memory_space<vmem>>) offsets(%dma_start3A_184 : memref<128xi32, #tpu.memory_space<vmem>>) semaphore(%arg16 : memref<!tpu.dma_semaphore, #tpu.memory_space<semaphore_mem>>) {add = true}
    %dma_start3A_188 = arith.constant 7 : i32
    %dma_start3A_189 = arith.constant 0 : i32
    %dma_start3A_190 = tpu.memref_slice %arg10[%dma_start3A_188, %dma_start3A_189] : memref<10x128xi32, #tpu.memory_space<vmem>> -> memref<1x128xi32, #tpu.memory_space<vmem>>
    %dma_start3A_191 = tpu.memref_squeeze %dma_start3A_190 : memref<1x128xi32, #tpu.memory_space<vmem>> -> memref<128xi32, #tpu.memory_space<vmem>>
    %dma_start3A_192 = arith.constant 0 : i32
    %dma_start3A_193 = arith.constant 0 : i32
    %dma_start3A_194 = tpu.memref_slice %arg4[%dma_start3A_192, %dma_start3A_193] : memref<100000x128xf32, #tpu.memory_space<hbm>> -> memref<100000x128xf32, #tpu.memory_space<hbm>>
    tpu.enqueue_indirect_dma source(%dma_start3A_194 : memref<100000x128xf32, #tpu.memory_space<hbm>>) target(%arg14 : memref<128x128xf32, #tpu.memory_space<vmem>>) offsets(%dma_start3A_191 : memref<128xi32, #tpu.memory_space<vmem>>) semaphore(%arg16 : memref<!tpu.dma_semaphore, #tpu.memory_space<semaphore_mem>>) {add = true}
    %dma_start3A_195 = arith.constant 8 : i32
    %dma_start3A_196 = arith.constant 0 : i32
    %dma_start3A_197 = tpu.memref_slice %arg10[%dma_start3A_195, %dma_start3A_196] : memref<10x128xi32, #tpu.memory_space<vmem>> -> memref<1x128xi32, #tpu.memory_space<vmem>>
    %dma_start3A_198 = tpu.memref_squeeze %dma_start3A_197 : memref<1x128xi32, #tpu.memory_space<vmem>> -> memref<128xi32, #tpu.memory_space<vmem>>
    %dma_start3A_199 = arith.constant 0 : i32
    %dma_start3A_200 = arith.constant 0 : i32
    %dma_start3A_201 = tpu.memref_slice %arg4[%dma_start3A_199, %dma_start3A_200] : memref<100000x128xf32, #tpu.memory_space<hbm>> -> memref<100000x128xf32, #tpu.memory_space<hbm>>
    tpu.enqueue_indirect_dma source(%dma_start3A_201 : memref<100000x128xf32, #tpu.memory_space<hbm>>) target(%arg14 : memref<128x128xf32, #tpu.memory_space<vmem>>) offsets(%dma_start3A_198 : memref<128xi32, #tpu.memory_space<vmem>>) semaphore(%arg16 : memref<!tpu.dma_semaphore, #tpu.memory_space<semaphore_mem>>) {add = true}
    %dma_start3A_202 = arith.constant 9 : i32
    %dma_start3A_203 = arith.constant 0 : i32
    %dma_start3A_204 = tpu.memref_slice %arg10[%dma_start3A_202, %dma_start3A_203] : memref<10x128xi32, #tpu.memory_space<vmem>> -> memref<1x128xi32, #tpu.memory_space<vmem>>
    %dma_start3A_205 = tpu.memref_squeeze %dma_start3A_204 : memref<1x128xi32, #tpu.memory_space<vmem>> -> memref<128xi32, #tpu.memory_space<vmem>>
    %dma_start3A_206 = arith.constant 0 : i32
    %dma_start3A_207 = arith.constant 0 : i32
    %dma_start3A_208 = tpu.memref_slice %arg4[%dma_start3A_206, %dma_start3A_207] : memref<100000x128xf32, #tpu.memory_space<hbm>> -> memref<100000x128xf32, #tpu.memory_space<hbm>>
    tpu.enqueue_indirect_dma source(%dma_start3A_208 : memref<100000x128xf32, #tpu.memory_space<hbm>>) target(%arg14 : memref<128x128xf32, #tpu.memory_space<vmem>>) offsets(%dma_start3A_205 : memref<128xi32, #tpu.memory_space<vmem>>) semaphore(%arg16 : memref<!tpu.dma_semaphore, #tpu.memory_space<semaphore_mem>>) {add = true}
    %dma_wait3A_209 = arith.constant 0 : i32
    %dma_wait3A_210 = arith.constant 0 : i32
    %dma_wait3A_211 = tpu.memref_slice %arg4[%dma_wait3A_209, %dma_wait3A_210] : memref<100000x128xf32, #tpu.memory_space<hbm>> -> memref<100000x128xf32, #tpu.memory_space<hbm>>
    tpu.wait_indirect_dma semaphore(%arg15 : memref<!tpu.dma_semaphore, #tpu.memory_space<semaphore_mem>>) src(%dma_wait3A_211 : memref<100000x128xf32, #tpu.memory_space<hbm>>) dst(%arg11 : memref<128x128xf32, #tpu.memory_space<vmem>>)
    %dma_wait3A_212 = arith.constant 0 : i32
    %dma_wait3A_213 = arith.constant 0 : i32
    %dma_wait3A_214 = tpu.memref_slice %arg9[%dma_wait3A_212, %dma_wait3A_213] : memref<10x128xi32, #tpu.memory_space<vmem>> -> memref<1x128xi32, #tpu.memory_space<vmem>>
    %dma_wait3A_215 = tpu.memref_squeeze %dma_wait3A_214 : memref<1x128xi32, #tpu.memory_space<vmem>> -> memref<128xi32, #tpu.memory_space<vmem>>
    %dma_wait3A_216 = arith.constant 0 : i32
    %dma_wait3A_217 = arith.constant 0 : i32
    %dma_wait3A_218 = tpu.memref_slice %arg4[%dma_wait3A_216, %dma_wait3A_217] : memref<100000x128xf32, #tpu.memory_space<hbm>> -> memref<100000x128xf32, #tpu.memory_space<hbm>>
    tpu.wait_indirect_dma semaphore(%arg15 : memref<!tpu.dma_semaphore, #tpu.memory_space<semaphore_mem>>) src(%dma_wait3A_218 : memref<100000x128xf32, #tpu.memory_space<hbm>>) dst(%arg13 : memref<128x128xf32, #tpu.memory_space<vmem>>)
    %dma_wait3A_219 = arith.constant 1 : i32
    %dma_wait3A_220 = arith.constant 0 : i32
    %dma_wait3A_221 = tpu.memref_slice %arg9[%dma_wait3A_219, %dma_wait3A_220] : memref<10x128xi32, #tpu.memory_space<vmem>> -> memref<1x128xi32, #tpu.memory_space<vmem>>
    %dma_wait3A_222 = tpu.memref_squeeze %dma_wait3A_221 : memref<1x128xi32, #tpu.memory_space<vmem>> -> memref<128xi32, #tpu.memory_space<vmem>>
    %dma_wait3A_223 = arith.constant 0 : i32
    %dma_wait3A_224 = arith.constant 0 : i32
    %dma_wait3A_225 = tpu.memref_slice %arg4[%dma_wait3A_223, %dma_wait3A_224] : memref<100000x128xf32, #tpu.memory_space<hbm>> -> memref<100000x128xf32, #tpu.memory_space<hbm>>
    tpu.wait_indirect_dma semaphore(%arg15 : memref<!tpu.dma_semaphore, #tpu.memory_space<semaphore_mem>>) src(%dma_wait3A_225 : memref<100000x128xf32, #tpu.memory_space<hbm>>) dst(%arg13 : memref<128x128xf32, #tpu.memory_space<vmem>>)
    %dma_wait3A_226 = arith.constant 2 : i32
    %dma_wait3A_227 = arith.constant 0 : i32
    %dma_wait3A_228 = tpu.memref_slice %arg9[%dma_wait3A_226, %dma_wait3A_227] : memref<10x128xi32, #tpu.memory_space<vmem>> -> memref<1x128xi32, #tpu.memory_space<vmem>>
    %dma_wait3A_229 = tpu.memref_squeeze %dma_wait3A_228 : memref<1x128xi32, #tpu.memory_space<vmem>> -> memref<128xi32, #tpu.memory_space<vmem>>
    %dma_wait3A_230 = arith.constant 0 : i32
    %dma_wait3A_231 = arith.constant 0 : i32
    %dma_wait3A_232 = tpu.memref_slice %arg4[%dma_wait3A_230, %dma_wait3A_231] : memref<100000x128xf32, #tpu.memory_space<hbm>> -> memref<100000x128xf32, #tpu.memory_space<hbm>>
    tpu.wait_indirect_dma semaphore(%arg15 : memref<!tpu.dma_semaphore, #tpu.memory_space<semaphore_mem>>) src(%dma_wait3A_232 : memref<100000x128xf32, #tpu.memory_space<hbm>>) dst(%arg13 : memref<128x128xf32, #tpu.memory_space<vmem>>)
    %dma_wait3A_233 = arith.constant 3 : i32
    %dma_wait3A_234 = arith.constant 0 : i32
    %dma_wait3A_235 = tpu.memref_slice %arg9[%dma_wait3A_233, %dma_wait3A_234] : memref<10x128xi32, #tpu.memory_space<vmem>> -> memref<1x128xi32, #tpu.memory_space<vmem>>
    %dma_wait3A_236 = tpu.memref_squeeze %dma_wait3A_235 : memref<1x128xi32, #tpu.memory_space<vmem>> -> memref<128xi32, #tpu.memory_space<vmem>>
    %dma_wait3A_237 = arith.constant 0 : i32
    %dma_wait3A_238 = arith.constant 0 : i32
    %dma_wait3A_239 = tpu.memref_slice %arg4[%dma_wait3A_237, %dma_wait3A_238] : memref<100000x128xf32, #tpu.memory_space<hbm>> -> memref<100000x128xf32, #tpu.memory_space<hbm>>
    tpu.wait_indirect_dma semaphore(%arg15 : memref<!tpu.dma_semaphore, #tpu.memory_space<semaphore_mem>>) src(%dma_wait3A_239 : memref<100000x128xf32, #tpu.memory_space<hbm>>) dst(%arg13 : memref<128x128xf32, #tpu.memory_space<vmem>>)
    %dma_wait3A_240 = arith.constant 4 : i32
    %dma_wait3A_241 = arith.constant 0 : i32
    %dma_wait3A_242 = tpu.memref_slice %arg9[%dma_wait3A_240, %dma_wait3A_241] : memref<10x128xi32, #tpu.memory_space<vmem>> -> memref<1x128xi32, #tpu.memory_space<vmem>>
    %dma_wait3A_243 = tpu.memref_squeeze %dma_wait3A_242 : memref<1x128xi32, #tpu.memory_space<vmem>> -> memref<128xi32, #tpu.memory_space<vmem>>
    %dma_wait3A_244 = arith.constant 0 : i32
    %dma_wait3A_245 = arith.constant 0 : i32
    %dma_wait3A_246 = tpu.memref_slice %arg4[%dma_wait3A_244, %dma_wait3A_245] : memref<100000x128xf32, #tpu.memory_space<hbm>> -> memref<100000x128xf32, #tpu.memory_space<hbm>>
    tpu.wait_indirect_dma semaphore(%arg15 : memref<!tpu.dma_semaphore, #tpu.memory_space<semaphore_mem>>) src(%dma_wait3A_246 : memref<100000x128xf32, #tpu.memory_space<hbm>>) dst(%arg13 : memref<128x128xf32, #tpu.memory_space<vmem>>)
    %dma_wait3A_247 = arith.constant 5 : i32
    %dma_wait3A_248 = arith.constant 0 : i32
    %dma_wait3A_249 = tpu.memref_slice %arg9[%dma_wait3A_247, %dma_wait3A_248] : memref<10x128xi32, #tpu.memory_space<vmem>> -> memref<1x128xi32, #tpu.memory_space<vmem>>
    %dma_wait3A_250 = tpu.memref_squeeze %dma_wait3A_249 : memref<1x128xi32, #tpu.memory_space<vmem>> -> memref<128xi32, #tpu.memory_space<vmem>>
    %dma_wait3A_251 = arith.constant 0 : i32
    %dma_wait3A_252 = arith.constant 0 : i32
    %dma_wait3A_253 = tpu.memref_slice %arg4[%dma_wait3A_251, %dma_wait3A_252] : memref<100000x128xf32, #tpu.memory_space<hbm>> -> memref<100000x128xf32, #tpu.memory_space<hbm>>
    tpu.wait_indirect_dma semaphore(%arg15 : memref<!tpu.dma_semaphore, #tpu.memory_space<semaphore_mem>>) src(%dma_wait3A_253 : memref<100000x128xf32, #tpu.memory_space<hbm>>) dst(%arg13 : memref<128x128xf32, #tpu.memory_space<vmem>>)
    %dma_wait3A_254 = arith.constant 6 : i32
    %dma_wait3A_255 = arith.constant 0 : i32
    %dma_wait3A_256 = tpu.memref_slice %arg9[%dma_wait3A_254, %dma_wait3A_255] : memref<10x128xi32, #tpu.memory_space<vmem>> -> memref<1x128xi32, #tpu.memory_space<vmem>>
    %dma_wait3A_257 = tpu.memref_squeeze %dma_wait3A_256 : memref<1x128xi32, #tpu.memory_space<vmem>> -> memref<128xi32, #tpu.memory_space<vmem>>
    %dma_wait3A_258 = arith.constant 0 : i32
    %dma_wait3A_259 = arith.constant 0 : i32
    %dma_wait3A_260 = tpu.memref_slice %arg4[%dma_wait3A_258, %dma_wait3A_259] : memref<100000x128xf32, #tpu.memory_space<hbm>> -> memref<100000x128xf32, #tpu.memory_space<hbm>>
    tpu.wait_indirect_dma semaphore(%arg15 : memref<!tpu.dma_semaphore, #tpu.memory_space<semaphore_mem>>) src(%dma_wait3A_260 : memref<100000x128xf32, #tpu.memory_space<hbm>>) dst(%arg13 : memref<128x128xf32, #tpu.memory_space<vmem>>)
    %dma_wait3A_261 = arith.constant 7 : i32
    %dma_wait3A_262 = arith.constant 0 : i32
    %dma_wait3A_263 = tpu.memref_slice %arg9[%dma_wait3A_261, %dma_wait3A_262] : memref<10x128xi32, #tpu.memory_space<vmem>> -> memref<1x128xi32, #tpu.memory_space<vmem>>
    %dma_wait3A_264 = tpu.memref_squeeze %dma_wait3A_263 : memref<1x128xi32, #tpu.memory_space<vmem>> -> memref<128xi32, #tpu.memory_space<vmem>>
    %dma_wait3A_265 = arith.constant 0 : i32
    %dma_wait3A_266 = arith.constant 0 : i32
    %dma_wait3A_267 = tpu.memref_slice %arg4[%dma_wait3A_265, %dma_wait3A_266] : memref<100000x128xf32, #tpu.memory_space<hbm>> -> memref<100000x128xf32, #tpu.memory_space<hbm>>
    tpu.wait_indirect_dma semaphore(%arg15 : memref<!tpu.dma_semaphore, #tpu.memory_space<semaphore_mem>>) src(%dma_wait3A_267 : memref<100000x128xf32, #tpu.memory_space<hbm>>) dst(%arg13 : memref<128x128xf32, #tpu.memory_space<vmem>>)
    %dma_wait3A_268 = arith.constant 8 : i32
    %dma_wait3A_269 = arith.constant 0 : i32
    %dma_wait3A_270 = tpu.memref_slice %arg9[%dma_wait3A_268, %dma_wait3A_269] : memref<10x128xi32, #tpu.memory_space<vmem>> -> memref<1x128xi32, #tpu.memory_space<vmem>>
    %dma_wait3A_271 = tpu.memref_squeeze %dma_wait3A_270 : memref<1x128xi32, #tpu.memory_space<vmem>> -> memref<128xi32, #tpu.memory_space<vmem>>
    %dma_wait3A_272 = arith.constant 0 : i32
    %dma_wait3A_273 = arith.constant 0 : i32
    %dma_wait3A_274 = tpu.memref_slice %arg4[%dma_wait3A_272, %dma_wait3A_273] : memref<100000x128xf32, #tpu.memory_space<hbm>> -> memref<100000x128xf32, #tpu.memory_space<hbm>>
    tpu.wait_indirect_dma semaphore(%arg15 : memref<!tpu.dma_semaphore, #tpu.memory_space<semaphore_mem>>) src(%dma_wait3A_274 : memref<100000x128xf32, #tpu.memory_space<hbm>>) dst(%arg13 : memref<128x128xf32, #tpu.memory_space<vmem>>)
    %dma_wait3A_275 = arith.constant 9 : i32
    %dma_wait3A_276 = arith.constant 0 : i32
    %dma_wait3A_277 = tpu.memref_slice %arg9[%dma_wait3A_275, %dma_wait3A_276] : memref<10x128xi32, #tpu.memory_space<vmem>> -> memref<1x128xi32, #tpu.memory_space<vmem>>
    %dma_wait3A_278 = tpu.memref_squeeze %dma_wait3A_277 : memref<1x128xi32, #tpu.memory_space<vmem>> -> memref<128xi32, #tpu.memory_space<vmem>>
    %dma_wait3A_279 = arith.constant 0 : i32
    %dma_wait3A_280 = arith.constant 0 : i32
    %dma_wait3A_281 = tpu.memref_slice %arg4[%dma_wait3A_279, %dma_wait3A_280] : memref<100000x128xf32, #tpu.memory_space<hbm>> -> memref<100000x128xf32, #tpu.memory_space<hbm>>
    tpu.wait_indirect_dma semaphore(%arg15 : memref<!tpu.dma_semaphore, #tpu.memory_space<semaphore_mem>>) src(%dma_wait3A_281 : memref<100000x128xf32, #tpu.memory_space<hbm>>) dst(%arg13 : memref<128x128xf32, #tpu.memory_space<vmem>>)
    %mul3A_282 = arith.constant 4 : i32
    %mul3A_283 = arith.muli %add3A, %mul3A_282 : i32
    %add3A_284 = arith.constant 2 : i32
    %add3A_285 = arith.addi %mul3A_283, %add3A_284 : i32
    %mul3A_286 = arith.constant 128 : i32
    %mul3A_287 = arith.muli %add3A_285, %mul3A_286 : i32
    %dma_start3A_288 = tpu.memref_slice %arg2[%mul3A_287] : memref<16384xi32, #tpu.memory_space<hbm>> -> memref<128xi32, #tpu.memory_space<hbm>>
    %dma_start3A_289 = tpu.memref_slice %arg2[%mul3A_287] : memref<16384xi32, #tpu.memory_space<hbm>> -> memref<128xi32, #tpu.memory_space<hbm>>
    tpu.enqueue_dma source(%dma_start3A_289 : memref<128xi32, #tpu.memory_space<hbm>>) target(%arg7 : memref<128xi32, #tpu.memory_space<vmem>>) target_semaphore(%arg21 : memref<!tpu.dma_semaphore, #tpu.memory_space<semaphore_mem>>)
    %dma_start3A_290 = arith.constant 0 : i32
    %dma_start3A_291 = arith.constant 0 : i32
    %dma_start3A_292 = tpu.memref_slice %arg3[%add3A_285, %dma_start3A_290, %dma_start3A_291] : memref<128x10x128xi32, #tpu.memory_space<hbm>> -> memref<1x10x128xi32, #tpu.memory_space<hbm>>
    %dma_start3A_293 = tpu.memref_squeeze %dma_start3A_292 : memref<1x10x128xi32, #tpu.memory_space<hbm>> -> memref<10x128xi32, #tpu.memory_space<hbm>>
    %dma_start3A_294 = arith.constant 0 : i32
    %dma_start3A_295 = arith.constant 0 : i32
    %dma_start3A_296 = tpu.memref_slice %arg3[%add3A_285, %dma_start3A_294, %dma_start3A_295] : memref<128x10x128xi32, #tpu.memory_space<hbm>> -> memref<1x10x128xi32, #tpu.memory_space<hbm>>
    %dma_start3A_297 = tpu.memref_squeeze %dma_start3A_296 : memref<1x10x128xi32, #tpu.memory_space<hbm>> -> memref<10x128xi32, #tpu.memory_space<hbm>>
    tpu.enqueue_dma source(%dma_start3A_297 : memref<10x128xi32, #tpu.memory_space<hbm>>) target(%arg9 : memref<10x128xi32, #tpu.memory_space<vmem>>) target_semaphore(%arg21 : memref<!tpu.dma_semaphore, #tpu.memory_space<semaphore_mem>>)
    %mul3A_298 = arith.constant 4 : i32
    %mul3A_299 = arith.muli %add3A, %mul3A_298 : i32
    %add3A_300 = arith.constant 0 : i32
    %add3A_301 = arith.addi %mul3A_299, %add3A_300 : i32
    %mul3A_302 = arith.constant 128 : i32
    %mul3A_303 = arith.muli %add3A_301, %mul3A_302 : i32
    %dma_start3A_304 = arith.constant 0 : i32
    %dma_start3A_305 = tpu.memref_slice %arg5[%mul3A_303, %dma_start3A_304] : memref<16384x128xf32, #tpu.memory_space<hbm>> -> memref<128x128xf32, #tpu.memory_space<hbm>>
    %dma_start3A_306 = arith.constant 0 : i32
    %dma_start3A_307 = tpu.memref_slice %arg5[%mul3A_303, %dma_start3A_306] : memref<16384x128xf32, #tpu.memory_space<hbm>> -> memref<128x128xf32, #tpu.memory_space<hbm>>
    tpu.enqueue_dma source(%arg11 : memref<128x128xf32, #tpu.memory_space<vmem>>) target(%dma_start3A_307 : memref<128x128xf32, #tpu.memory_space<hbm>>) target_semaphore(%arg17 : memref<!tpu.dma_semaphore, #tpu.memory_space<semaphore_mem>>)
    %dma_start3A_308 = arith.constant 0 : i32
    %dma_start3A_309 = tpu.memref_slice %arg6[%mul3A_303, %dma_start3A_308] : memref<16384x128xf32, #tpu.memory_space<hbm>> -> memref<128x128xf32, #tpu.memory_space<hbm>>
    %dma_start3A_310 = arith.constant 0 : i32
    %dma_start3A_311 = tpu.memref_slice %arg6[%mul3A_303, %dma_start3A_310] : memref<16384x128xf32, #tpu.memory_space<hbm>> -> memref<128x128xf32, #tpu.memory_space<hbm>>
    tpu.enqueue_dma source(%arg13 : memref<128x128xf32, #tpu.memory_space<vmem>>) target(%dma_start3A_311 : memref<128x128xf32, #tpu.memory_space<hbm>>) target_semaphore(%arg19 : memref<!tpu.dma_semaphore, #tpu.memory_space<semaphore_mem>>)
    %dma_wait3A_312 = arith.constant 0 : i32
    %dma_wait3A_313 = tpu.memref_slice %arg5[%mul3A_303, %dma_wait3A_312] : memref<16384x128xf32, #tpu.memory_space<hbm>> -> memref<128x128xf32, #tpu.memory_space<hbm>>
    %dma_wait3A_314 = arith.constant 0 : i32
    %dma_wait3A_315 = tpu.memref_slice %arg5[%mul3A_303, %dma_wait3A_314] : memref<16384x128xf32, #tpu.memory_space<hbm>> -> memref<128x128xf32, #tpu.memory_space<hbm>>
    tpu.wait_dma2 semaphore(%arg17 : memref<!tpu.dma_semaphore, #tpu.memory_space<semaphore_mem>>) src(%arg11 : memref<128x128xf32, #tpu.memory_space<vmem>>) dst(%dma_wait3A_315 : memref<128x128xf32, #tpu.memory_space<hbm>>)
    %dma_wait3A_316 = arith.constant 0 : i32
    %dma_wait3A_317 = tpu.memref_slice %arg6[%mul3A_303, %dma_wait3A_316] : memref<16384x128xf32, #tpu.memory_space<hbm>> -> memref<128x128xf32, #tpu.memory_space<hbm>>
    %dma_wait3A_318 = arith.constant 0 : i32
    %dma_wait3A_319 = tpu.memref_slice %arg6[%mul3A_303, %dma_wait3A_318] : memref<16384x128xf32, #tpu.memory_space<hbm>> -> memref<128x128xf32, #tpu.memory_space<hbm>>
    tpu.wait_dma2 semaphore(%arg19 : memref<!tpu.dma_semaphore, #tpu.memory_space<semaphore_mem>>) src(%arg13 : memref<128x128xf32, #tpu.memory_space<vmem>>) dst(%dma_wait3A_319 : memref<128x128xf32, #tpu.memory_space<hbm>>)
    %scan3A_320 = arith.constant 0 : i32
    %scan3A_321 = arith.constant 0 : i32
    %scan3A_322 = arith.constant 128 : i32
    %scan3A_323 = arith.addi %scan3A_321, %scan3A_322 : i32
    %scan3A_324 = arith.constant 1 : i32
    scf.for %scan3A_799 = %scan3A_321 to %scan3A_323 step %scan3A_324  : i32 {
      %swap3A = arith.index_cast %scan3A_799 : i32 to index
      %swap3A_800 = arith.constant 0 : index
      %swap3A_801 = tpu.vector_load %arg13[%swap3A, %swap3A_800] {strides = array<i32>} : memref<128x128xf32, #tpu.memory_space<vmem>>, vector<1x16xf32>,
      %swap3A_802 = vector.shape_cast %swap3A_801 : vector<1x16xf32> to vector<16xf32>
      %swap3A_803 = vector.shape_cast %broadcast_in_dim3A_1 : vector<16xf32> to vector<1x16xf32>
      tpu.vector_store %arg13[%swap3A, %swap3A_800], %swap3A_803 {strides = array<i32>} : memref<128x128xf32, #tpu.memory_space<vmem>>, vector<1x16xf32>,
      %swap3A_804 = arith.index_cast %scan3A_799 : i32 to index
      %swap3A_805 = arith.constant 16 : index
      %swap3A_806 = tpu.vector_load %arg13[%swap3A_804, %swap3A_805] {strides = array<i32>} : memref<128x128xf32, #tpu.memory_space<vmem>>, vector<1x16xf32>,
      %swap3A_807 = vector.shape_cast %swap3A_806 : vector<1x16xf32> to vector<16xf32>
      %swap3A_808 = vector.shape_cast %broadcast_in_dim3A_1 : vector<16xf32> to vector<1x16xf32>
      tpu.vector_store %arg13[%swap3A_804, %swap3A_805], %swap3A_808 {strides = array<i32>} : memref<128x128xf32, #tpu.memory_space<vmem>>, vector<1x16xf32>,
      %swap3A_809 = arith.index_cast %scan3A_799 : i32 to index
      %swap3A_810 = arith.constant 32 : index
      %swap3A_811 = tpu.vector_load %arg13[%swap3A_809, %swap3A_810] {strides = array<i32>} : memref<128x128xf32, #tpu.memory_space<vmem>>, vector<1x16xf32>,
      %swap3A_812 = vector.shape_cast %swap3A_811 : vector<1x16xf32> to vector<16xf32>
      %swap3A_813 = vector.shape_cast %broadcast_in_dim3A_1 : vector<16xf32> to vector<1x16xf32>
      tpu.vector_store %arg13[%swap3A_809, %swap3A_810], %swap3A_813 {strides = array<i32>} : memref<128x128xf32, #tpu.memory_space<vmem>>, vector<1x16xf32>,
      %swap3A_814 = arith.index_cast %scan3A_799 : i32 to index
      %swap3A_815 = arith.constant 48 : index
      %swap3A_816 = tpu.vector_load %arg13[%swap3A_814, %swap3A_815] {strides = array<i32>} : memref<128x128xf32, #tpu.memory_space<vmem>>, vector<1x16xf32>,
      %swap3A_817 = vector.shape_cast %swap3A_816 : vector<1x16xf32> to vector<16xf32>
      %swap3A_818 = vector.shape_cast %broadcast_in_dim3A_1 : vector<16xf32> to vector<1x16xf32>
      tpu.vector_store %arg13[%swap3A_814, %swap3A_815], %swap3A_818 {strides = array<i32>} : memref<128x128xf32, #tpu.memory_space<vmem>>, vector<1x16xf32>,
      %swap3A_819 = arith.index_cast %scan3A_799 : i32 to index
      %swap3A_820 = arith.constant 64 : index
      %swap3A_821 = tpu.vector_load %arg13[%swap3A_819, %swap3A_820] {strides = array<i32>} : memref<128x128xf32, #tpu.memory_space<vmem>>, vector<1x16xf32>,
      %swap3A_822 = vector.shape_cast %swap3A_821 : vector<1x16xf32> to vector<16xf32>
      %swap3A_823 = vector.shape_cast %broadcast_in_dim3A_1 : vector<16xf32> to vector<1x16xf32>
      tpu.vector_store %arg13[%swap3A_819, %swap3A_820], %swap3A_823 {strides = array<i32>} : memref<128x128xf32, #tpu.memory_space<vmem>>, vector<1x16xf32>,
      %swap3A_824 = arith.index_cast %scan3A_799 : i32 to index
      %swap3A_825 = arith.constant 80 : index
      %swap3A_826 = tpu.vector_load %arg13[%swap3A_824, %swap3A_825] {strides = array<i32>} : memref<128x128xf32, #tpu.memory_space<vmem>>, vector<1x16xf32>,
      %swap3A_827 = vector.shape_cast %swap3A_826 : vector<1x16xf32> to vector<16xf32>
      %swap3A_828 = vector.shape_cast %broadcast_in_dim3A_1 : vector<16xf32> to vector<1x16xf32>
      tpu.vector_store %arg13[%swap3A_824, %swap3A_825], %swap3A_828 {strides = array<i32>} : memref<128x128xf32, #tpu.memory_space<vmem>>, vector<1x16xf32>,
      %swap3A_829 = arith.index_cast %scan3A_799 : i32 to index
      %swap3A_830 = arith.constant 96 : index
      %swap3A_831 = tpu.vector_load %arg13[%swap3A_829, %swap3A_830] {strides = array<i32>} : memref<128x128xf32, #tpu.memory_space<vmem>>, vector<1x16xf32>,
      %swap3A_832 = vector.shape_cast %swap3A_831 : vector<1x16xf32> to vector<16xf32>
      %swap3A_833 = vector.shape_cast %broadcast_in_dim3A_1 : vector<16xf32> to vector<1x16xf32>
      tpu.vector_store %arg13[%swap3A_829, %swap3A_830], %swap3A_833 {strides = array<i32>} : memref<128x128xf32, #tpu.memory_space<vmem>>, vector<1x16xf32>,
      %swap3A_834 = arith.index_cast %scan3A_799 : i32 to index
      %swap3A_835 = arith.constant 112 : index
      %swap3A_836 = tpu.vector_load %arg13[%swap3A_834, %swap3A_835] {strides = array<i32>} : memref<128x128xf32, #tpu.memory_space<vmem>>, vector<1x16xf32>,
      %swap3A_837 = vector.shape_cast %swap3A_836 : vector<1x16xf32> to vector<16xf32>
      %swap3A_838 = vector.shape_cast %broadcast_in_dim3A_1 : vector<16xf32> to vector<1x16xf32>
      tpu.vector_store %arg13[%swap3A_834, %swap3A_835], %swap3A_838 {strides = array<i32>} : memref<128x128xf32, #tpu.memory_space<vmem>>, vector<1x16xf32>,
    }
    %scan3A_325 = arith.constant 128 : i32
    %dma_wait3A_326 = tpu.memref_slice %arg2[%mul3A_287] : memref<16384xi32, #tpu.memory_space<hbm>> -> memref<128xi32, #tpu.memory_space<hbm>>
    %dma_wait3A_327 = tpu.memref_slice %arg2[%mul3A_287] : memref<16384xi32, #tpu.memory_space<hbm>> -> memref<128xi32, #tpu.memory_space<hbm>>
    tpu.wait_dma2 semaphore(%arg21 : memref<!tpu.dma_semaphore, #tpu.memory_space<semaphore_mem>>) src(%dma_wait3A_327 : memref<128xi32, #tpu.memory_space<hbm>>) dst(%arg7 : memref<128xi32, #tpu.memory_space<vmem>>)
    %dma_wait3A_328 = arith.constant 0 : i32
    %dma_wait3A_329 = arith.constant 0 : i32
    %dma_wait3A_330 = tpu.memref_slice %arg3[%add3A_285, %dma_wait3A_328, %dma_wait3A_329] : memref<128x10x128xi32, #tpu.memory_space<hbm>> -> memref<1x10x128xi32, #tpu.memory_space<hbm>>
    %dma_wait3A_331 = tpu.memref_squeeze %dma_wait3A_330 : memref<1x10x128xi32, #tpu.memory_space<hbm>> -> memref<10x128xi32, #tpu.memory_space<hbm>>
    %dma_wait3A_332 = arith.constant 0 : i32
    %dma_wait3A_333 = arith.constant 0 : i32
    %dma_wait3A_334 = tpu.memref_slice %arg3[%add3A_285, %dma_wait3A_332, %dma_wait3A_333] : memref<128x10x128xi32, #tpu.memory_space<hbm>> -> memref<1x10x128xi32, #tpu.memory_space<hbm>>
    %dma_wait3A_335 = tpu.memref_squeeze %dma_wait3A_334 : memref<1x10x128xi32, #tpu.memory_space<hbm>> -> memref<10x128xi32, #tpu.memory_space<hbm>>
    tpu.wait_dma2 semaphore(%arg21 : memref<!tpu.dma_semaphore, #tpu.memory_space<semaphore_mem>>) src(%dma_wait3A_335 : memref<10x128xi32, #tpu.memory_space<hbm>>) dst(%arg9 : memref<10x128xi32, #tpu.memory_space<vmem>>)
    %dma_start3A_336 = arith.constant 0 : i32
    %dma_start3A_337 = arith.constant 0 : i32
    %dma_start3A_338 = tpu.memref_slice %arg4[%dma_start3A_336, %dma_start3A_337] : memref<100000x128xf32, #tpu.memory_space<hbm>> -> memref<100000x128xf32, #tpu.memory_space<hbm>>
    tpu.enqueue_indirect_dma source(%dma_start3A_338 : memref<100000x128xf32, #tpu.memory_space<hbm>>) target(%arg11 : memref<128x128xf32, #tpu.memory_space<vmem>>) offsets(%arg7 : memref<128xi32, #tpu.memory_space<vmem>>) semaphore(%arg15 : memref<!tpu.dma_semaphore, #tpu.memory_space<semaphore_mem>>)
    %dma_start3A_339 = arith.constant 0 : i32
    %dma_start3A_340 = arith.constant 0 : i32
    %dma_start3A_341 = tpu.memref_slice %arg9[%dma_start3A_339, %dma_start3A_340] : memref<10x128xi32, #tpu.memory_space<vmem>> -> memref<1x128xi32, #tpu.memory_space<vmem>>
    %dma_start3A_342 = tpu.memref_squeeze %dma_start3A_341 : memref<1x128xi32, #tpu.memory_space<vmem>> -> memref<128xi32, #tpu.memory_space<vmem>>
    %dma_start3A_343 = arith.constant 0 : i32
    %dma_start3A_344 = arith.constant 0 : i32
    %dma_start3A_345 = tpu.memref_slice %arg4[%dma_start3A_343, %dma_start3A_344] : memref<100000x128xf32, #tpu.memory_space<hbm>> -> memref<100000x128xf32, #tpu.memory_space<hbm>>
    tpu.enqueue_indirect_dma source(%dma_start3A_345 : memref<100000x128xf32, #tpu.memory_space<hbm>>) target(%arg13 : memref<128x128xf32, #tpu.memory_space<vmem>>) offsets(%dma_start3A_342 : memref<128xi32, #tpu.memory_space<vmem>>) semaphore(%arg15 : memref<!tpu.dma_semaphore, #tpu.memory_space<semaphore_mem>>) {add = true}
    %dma_start3A_346 = arith.constant 1 : i32
    %dma_start3A_347 = arith.constant 0 : i32
    %dma_start3A_348 = tpu.memref_slice %arg9[%dma_start3A_346, %dma_start3A_347] : memref<10x128xi32, #tpu.memory_space<vmem>> -> memref<1x128xi32, #tpu.memory_space<vmem>>
    %dma_start3A_349 = tpu.memref_squeeze %dma_start3A_348 : memref<1x128xi32, #tpu.memory_space<vmem>> -> memref<128xi32, #tpu.memory_space<vmem>>
    %dma_start3A_350 = arith.constant 0 : i32
    %dma_start3A_351 = arith.constant 0 : i32
    %dma_start3A_352 = tpu.memref_slice %arg4[%dma_start3A_350, %dma_start3A_351] : memref<100000x128xf32, #tpu.memory_space<hbm>> -> memref<100000x128xf32, #tpu.memory_space<hbm>>
    tpu.enqueue_indirect_dma source(%dma_start3A_352 : memref<100000x128xf32, #tpu.memory_space<hbm>>) target(%arg13 : memref<128x128xf32, #tpu.memory_space<vmem>>) offsets(%dma_start3A_349 : memref<128xi32, #tpu.memory_space<vmem>>) semaphore(%arg15 : memref<!tpu.dma_semaphore, #tpu.memory_space<semaphore_mem>>) {add = true}
    %dma_start3A_353 = arith.constant 2 : i32
    %dma_start3A_354 = arith.constant 0 : i32
    %dma_start3A_355 = tpu.memref_slice %arg9[%dma_start3A_353, %dma_start3A_354] : memref<10x128xi32, #tpu.memory_space<vmem>> -> memref<1x128xi32, #tpu.memory_space<vmem>>
    %dma_start3A_356 = tpu.memref_squeeze %dma_start3A_355 : memref<1x128xi32, #tpu.memory_space<vmem>> -> memref<128xi32, #tpu.memory_space<vmem>>
    %dma_start3A_357 = arith.constant 0 : i32
    %dma_start3A_358 = arith.constant 0 : i32
    %dma_start3A_359 = tpu.memref_slice %arg4[%dma_start3A_357, %dma_start3A_358] : memref<100000x128xf32, #tpu.memory_space<hbm>> -> memref<100000x128xf32, #tpu.memory_space<hbm>>
    tpu.enqueue_indirect_dma source(%dma_start3A_359 : memref<100000x128xf32, #tpu.memory_space<hbm>>) target(%arg13 : memref<128x128xf32, #tpu.memory_space<vmem>>) offsets(%dma_start3A_356 : memref<128xi32, #tpu.memory_space<vmem>>) semaphore(%arg15 : memref<!tpu.dma_semaphore, #tpu.memory_space<semaphore_mem>>) {add = true}
    %dma_start3A_360 = arith.constant 3 : i32
    %dma_start3A_361 = arith.constant 0 : i32
    %dma_start3A_362 = tpu.memref_slice %arg9[%dma_start3A_360, %dma_start3A_361] : memref<10x128xi32, #tpu.memory_space<vmem>> -> memref<1x128xi32, #tpu.memory_space<vmem>>
    %dma_start3A_363 = tpu.memref_squeeze %dma_start3A_362 : memref<1x128xi32, #tpu.memory_space<vmem>> -> memref<128xi32, #tpu.memory_space<vmem>>
    %dma_start3A_364 = arith.constant 0 : i32
    %dma_start3A_365 = arith.constant 0 : i32
    %dma_start3A_366 = tpu.memref_slice %arg4[%dma_start3A_364, %dma_start3A_365] : memref<100000x128xf32, #tpu.memory_space<hbm>> -> memref<100000x128xf32, #tpu.memory_space<hbm>>
    tpu.enqueue_indirect_dma source(%dma_start3A_366 : memref<100000x128xf32, #tpu.memory_space<hbm>>) target(%arg13 : memref<128x128xf32, #tpu.memory_space<vmem>>) offsets(%dma_start3A_363 : memref<128xi32, #tpu.memory_space<vmem>>) semaphore(%arg15 : memref<!tpu.dma_semaphore, #tpu.memory_space<semaphore_mem>>) {add = true}
    %dma_start3A_367 = arith.constant 4 : i32
    %dma_start3A_368 = arith.constant 0 : i32
    %dma_start3A_369 = tpu.memref_slice %arg9[%dma_start3A_367, %dma_start3A_368] : memref<10x128xi32, #tpu.memory_space<vmem>> -> memref<1x128xi32, #tpu.memory_space<vmem>>
    %dma_start3A_370 = tpu.memref_squeeze %dma_start3A_369 : memref<1x128xi32, #tpu.memory_space<vmem>> -> memref<128xi32, #tpu.memory_space<vmem>>
    %dma_start3A_371 = arith.constant 0 : i32
    %dma_start3A_372 = arith.constant 0 : i32
    %dma_start3A_373 = tpu.memref_slice %arg4[%dma_start3A_371, %dma_start3A_372] : memref<100000x128xf32, #tpu.memory_space<hbm>> -> memref<100000x128xf32, #tpu.memory_space<hbm>>
    tpu.enqueue_indirect_dma source(%dma_start3A_373 : memref<100000x128xf32, #tpu.memory_space<hbm>>) target(%arg13 : memref<128x128xf32, #tpu.memory_space<vmem>>) offsets(%dma_start3A_370 : memref<128xi32, #tpu.memory_space<vmem>>) semaphore(%arg15 : memref<!tpu.dma_semaphore, #tpu.memory_space<semaphore_mem>>) {add = true}
    %dma_start3A_374 = arith.constant 5 : i32
    %dma_start3A_375 = arith.constant 0 : i32
    %dma_start3A_376 = tpu.memref_slice %arg9[%dma_start3A_374, %dma_start3A_375] : memref<10x128xi32, #tpu.memory_space<vmem>> -> memref<1x128xi32, #tpu.memory_space<vmem>>
    %dma_start3A_377 = tpu.memref_squeeze %dma_start3A_376 : memref<1x128xi32, #tpu.memory_space<vmem>> -> memref<128xi32, #tpu.memory_space<vmem>>
    %dma_start3A_378 = arith.constant 0 : i32
    %dma_start3A_379 = arith.constant 0 : i32
    %dma_start3A_380 = tpu.memref_slice %arg4[%dma_start3A_378, %dma_start3A_379] : memref<100000x128xf32, #tpu.memory_space<hbm>> -> memref<100000x128xf32, #tpu.memory_space<hbm>>
    tpu.enqueue_indirect_dma source(%dma_start3A_380 : memref<100000x128xf32, #tpu.memory_space<hbm>>) target(%arg13 : memref<128x128xf32, #tpu.memory_space<vmem>>) offsets(%dma_start3A_377 : memref<128xi32, #tpu.memory_space<vmem>>) semaphore(%arg15 : memref<!tpu.dma_semaphore, #tpu.memory_space<semaphore_mem>>) {add = true}
    %dma_start3A_381 = arith.constant 6 : i32
    %dma_start3A_382 = arith.constant 0 : i32
    %dma_start3A_383 = tpu.memref_slice %arg9[%dma_start3A_381, %dma_start3A_382] : memref<10x128xi32, #tpu.memory_space<vmem>> -> memref<1x128xi32, #tpu.memory_space<vmem>>
    %dma_start3A_384 = tpu.memref_squeeze %dma_start3A_383 : memref<1x128xi32, #tpu.memory_space<vmem>> -> memref<128xi32, #tpu.memory_space<vmem>>
    %dma_start3A_385 = arith.constant 0 : i32
    %dma_start3A_386 = arith.constant 0 : i32
    %dma_start3A_387 = tpu.memref_slice %arg4[%dma_start3A_385, %dma_start3A_386] : memref<100000x128xf32, #tpu.memory_space<hbm>> -> memref<100000x128xf32, #tpu.memory_space<hbm>>
    tpu.enqueue_indirect_dma source(%dma_start3A_387 : memref<100000x128xf32, #tpu.memory_space<hbm>>) target(%arg13 : memref<128x128xf32, #tpu.memory_space<vmem>>) offsets(%dma_start3A_384 : memref<128xi32, #tpu.memory_space<vmem>>) semaphore(%arg15 : memref<!tpu.dma_semaphore, #tpu.memory_space<semaphore_mem>>) {add = true}
    %dma_start3A_388 = arith.constant 7 : i32
    %dma_start3A_389 = arith.constant 0 : i32
    %dma_start3A_390 = tpu.memref_slice %arg9[%dma_start3A_388, %dma_start3A_389] : memref<10x128xi32, #tpu.memory_space<vmem>> -> memref<1x128xi32, #tpu.memory_space<vmem>>
    %dma_start3A_391 = tpu.memref_squeeze %dma_start3A_390 : memref<1x128xi32, #tpu.memory_space<vmem>> -> memref<128xi32, #tpu.memory_space<vmem>>
    %dma_start3A_392 = arith.constant 0 : i32
    %dma_start3A_393 = arith.constant 0 : i32
    %dma_start3A_394 = tpu.memref_slice %arg4[%dma_start3A_392, %dma_start3A_393] : memref<100000x128xf32, #tpu.memory_space<hbm>> -> memref<100000x128xf32, #tpu.memory_space<hbm>>
    tpu.enqueue_indirect_dma source(%dma_start3A_394 : memref<100000x128xf32, #tpu.memory_space<hbm>>) target(%arg13 : memref<128x128xf32, #tpu.memory_space<vmem>>) offsets(%dma_start3A_391 : memref<128xi32, #tpu.memory_space<vmem>>) semaphore(%arg15 : memref<!tpu.dma_semaphore, #tpu.memory_space<semaphore_mem>>) {add = true}
    %dma_start3A_395 = arith.constant 8 : i32
    %dma_start3A_396 = arith.constant 0 : i32
    %dma_start3A_397 = tpu.memref_slice %arg9[%dma_start3A_395, %dma_start3A_396] : memref<10x128xi32, #tpu.memory_space<vmem>> -> memref<1x128xi32, #tpu.memory_space<vmem>>
    %dma_start3A_398 = tpu.memref_squeeze %dma_start3A_397 : memref<1x128xi32, #tpu.memory_space<vmem>> -> memref<128xi32, #tpu.memory_space<vmem>>
    %dma_start3A_399 = arith.constant 0 : i32
    %dma_start3A_400 = arith.constant 0 : i32
    %dma_start3A_401 = tpu.memref_slice %arg4[%dma_start3A_399, %dma_start3A_400] : memref<100000x128xf32, #tpu.memory_space<hbm>> -> memref<100000x128xf32, #tpu.memory_space<hbm>>
    tpu.enqueue_indirect_dma source(%dma_start3A_401 : memref<100000x128xf32, #tpu.memory_space<hbm>>) target(%arg13 : memref<128x128xf32, #tpu.memory_space<vmem>>) offsets(%dma_start3A_398 : memref<128xi32, #tpu.memory_space<vmem>>) semaphore(%arg15 : memref<!tpu.dma_semaphore, #tpu.memory_space<semaphore_mem>>) {add = true}
    %dma_start3A_402 = arith.constant 9 : i32
    %dma_start3A_403 = arith.constant 0 : i32
    %dma_start3A_404 = tpu.memref_slice %arg9[%dma_start3A_402, %dma_start3A_403] : memref<10x128xi32, #tpu.memory_space<vmem>> -> memref<1x128xi32, #tpu.memory_space<vmem>>
    %dma_start3A_405 = tpu.memref_squeeze %dma_start3A_404 : memref<1x128xi32, #tpu.memory_space<vmem>> -> memref<128xi32, #tpu.memory_space<vmem>>
    %dma_start3A_406 = arith.constant 0 : i32
    %dma_start3A_407 = arith.constant 0 : i32
    %dma_start3A_408 = tpu.memref_slice %arg4[%dma_start3A_406, %dma_start3A_407] : memref<100000x128xf32, #tpu.memory_space<hbm>> -> memref<100000x128xf32, #tpu.memory_space<hbm>>
    tpu.enqueue_indirect_dma source(%dma_start3A_408 : memref<100000x128xf32, #tpu.memory_space<hbm>>) target(%arg13 : memref<128x128xf32, #tpu.memory_space<vmem>>) offsets(%dma_start3A_405 : memref<128xi32, #tpu.memory_space<vmem>>) semaphore(%arg15 : memref<!tpu.dma_semaphore, #tpu.memory_space<semaphore_mem>>) {add = true}
    %dma_wait3A_409 = arith.constant 0 : i32
    %dma_wait3A_410 = arith.constant 0 : i32
    %dma_wait3A_411 = tpu.memref_slice %arg4[%dma_wait3A_409, %dma_wait3A_410] : memref<100000x128xf32, #tpu.memory_space<hbm>> -> memref<100000x128xf32, #tpu.memory_space<hbm>>
    tpu.wait_indirect_dma semaphore(%arg16 : memref<!tpu.dma_semaphore, #tpu.memory_space<semaphore_mem>>) src(%dma_wait3A_411 : memref<100000x128xf32, #tpu.memory_space<hbm>>) dst(%arg12 : memref<128x128xf32, #tpu.memory_space<vmem>>)
    %dma_wait3A_412 = arith.constant 0 : i32
    %dma_wait3A_413 = arith.constant 0 : i32
    %dma_wait3A_414 = tpu.memref_slice %arg10[%dma_wait3A_412, %dma_wait3A_413] : memref<10x128xi32, #tpu.memory_space<vmem>> -> memref<1x128xi32, #tpu.memory_space<vmem>>
    %dma_wait3A_415 = tpu.memref_squeeze %dma_wait3A_414 : memref<1x128xi32, #tpu.memory_space<vmem>> -> memref<128xi32, #tpu.memory_space<vmem>>
    %dma_wait3A_416 = arith.constant 0 : i32
    %dma_wait3A_417 = arith.constant 0 : i32
    %dma_wait3A_418 = tpu.memref_slice %arg4[%dma_wait3A_416, %dma_wait3A_417] : memref<100000x128xf32, #tpu.memory_space<hbm>> -> memref<100000x128xf32, #tpu.memory_space<hbm>>
    tpu.wait_indirect_dma semaphore(%arg16 : memref<!tpu.dma_semaphore, #tpu.memory_space<semaphore_mem>>) src(%dma_wait3A_418 : memref<100000x128xf32, #tpu.memory_space<hbm>>) dst(%arg14 : memref<128x128xf32, #tpu.memory_space<vmem>>)
    %dma_wait3A_419 = arith.constant 1 : i32
    %dma_wait3A_420 = arith.constant 0 : i32
    %dma_wait3A_421 = tpu.memref_slice %arg10[%dma_wait3A_419, %dma_wait3A_420] : memref<10x128xi32, #tpu.memory_space<vmem>> -> memref<1x128xi32, #tpu.memory_space<vmem>>
    %dma_wait3A_422 = tpu.memref_squeeze %dma_wait3A_421 : memref<1x128xi32, #tpu.memory_space<vmem>> -> memref<128xi32, #tpu.memory_space<vmem>>
    %dma_wait3A_423 = arith.constant 0 : i32
    %dma_wait3A_424 = arith.constant 0 : i32
    %dma_wait3A_425 = tpu.memref_slice %arg4[%dma_wait3A_423, %dma_wait3A_424] : memref<100000x128xf32, #tpu.memory_space<hbm>> -> memref<100000x128xf32, #tpu.memory_space<hbm>>
    tpu.wait_indirect_dma semaphore(%arg16 : memref<!tpu.dma_semaphore, #tpu.memory_space<semaphore_mem>>) src(%dma_wait3A_425 : memref<100000x128xf32, #tpu.memory_space<hbm>>) dst(%arg14 : memref<128x128xf32, #tpu.memory_space<vmem>>)
    %dma_wait3A_426 = arith.constant 2 : i32
    %dma_wait3A_427 = arith.constant 0 : i32
    %dma_wait3A_428 = tpu.memref_slice %arg10[%dma_wait3A_426, %dma_wait3A_427] : memref<10x128xi32, #tpu.memory_space<vmem>> -> memref<1x128xi32, #tpu.memory_space<vmem>>
    %dma_wait3A_429 = tpu.memref_squeeze %dma_wait3A_428 : memref<1x128xi32, #tpu.memory_space<vmem>> -> memref<128xi32, #tpu.memory_space<vmem>>
    %dma_wait3A_430 = arith.constant 0 : i32
    %dma_wait3A_431 = arith.constant 0 : i32
    %dma_wait3A_432 = tpu.memref_slice %arg4[%dma_wait3A_430, %dma_wait3A_431] : memref<100000x128xf32, #tpu.memory_space<hbm>> -> memref<100000x128xf32, #tpu.memory_space<hbm>>
    tpu.wait_indirect_dma semaphore(%arg16 : memref<!tpu.dma_semaphore, #tpu.memory_space<semaphore_mem>>) src(%dma_wait3A_432 : memref<100000x128xf32, #tpu.memory_space<hbm>>) dst(%arg14 : memref<128x128xf32, #tpu.memory_space<vmem>>)
    %dma_wait3A_433 = arith.constant 3 : i32
    %dma_wait3A_434 = arith.constant 0 : i32
    %dma_wait3A_435 = tpu.memref_slice %arg10[%dma_wait3A_433, %dma_wait3A_434] : memref<10x128xi32, #tpu.memory_space<vmem>> -> memref<1x128xi32, #tpu.memory_space<vmem>>
    %dma_wait3A_436 = tpu.memref_squeeze %dma_wait3A_435 : memref<1x128xi32, #tpu.memory_space<vmem>> -> memref<128xi32, #tpu.memory_space<vmem>>
    %dma_wait3A_437 = arith.constant 0 : i32
    %dma_wait3A_438 = arith.constant 0 : i32
    %dma_wait3A_439 = tpu.memref_slice %arg4[%dma_wait3A_437, %dma_wait3A_438] : memref<100000x128xf32, #tpu.memory_space<hbm>> -> memref<100000x128xf32, #tpu.memory_space<hbm>>
    tpu.wait_indirect_dma semaphore(%arg16 : memref<!tpu.dma_semaphore, #tpu.memory_space<semaphore_mem>>) src(%dma_wait3A_439 : memref<100000x128xf32, #tpu.memory_space<hbm>>) dst(%arg14 : memref<128x128xf32, #tpu.memory_space<vmem>>)
    %dma_wait3A_440 = arith.constant 4 : i32
    %dma_wait3A_441 = arith.constant 0 : i32
    %dma_wait3A_442 = tpu.memref_slice %arg10[%dma_wait3A_440, %dma_wait3A_441] : memref<10x128xi32, #tpu.memory_space<vmem>> -> memref<1x128xi32, #tpu.memory_space<vmem>>
    %dma_wait3A_443 = tpu.memref_squeeze %dma_wait3A_442 : memref<1x128xi32, #tpu.memory_space<vmem>> -> memref<128xi32, #tpu.memory_space<vmem>>
    %dma_wait3A_444 = arith.constant 0 : i32
    %dma_wait3A_445 = arith.constant 0 : i32
    %dma_wait3A_446 = tpu.memref_slice %arg4[%dma_wait3A_444, %dma_wait3A_445] : memref<100000x128xf32, #tpu.memory_space<hbm>> -> memref<100000x128xf32, #tpu.memory_space<hbm>>
    tpu.wait_indirect_dma semaphore(%arg16 : memref<!tpu.dma_semaphore, #tpu.memory_space<semaphore_mem>>) src(%dma_wait3A_446 : memref<100000x128xf32, #tpu.memory_space<hbm>>) dst(%arg14 : memref<128x128xf32, #tpu.memory_space<vmem>>)
    %dma_wait3A_447 = arith.constant 5 : i32
    %dma_wait3A_448 = arith.constant 0 : i32
    %dma_wait3A_449 = tpu.memref_slice %arg10[%dma_wait3A_447, %dma_wait3A_448] : memref<10x128xi32, #tpu.memory_space<vmem>> -> memref<1x128xi32, #tpu.memory_space<vmem>>
    %dma_wait3A_450 = tpu.memref_squeeze %dma_wait3A_449 : memref<1x128xi32, #tpu.memory_space<vmem>> -> memref<128xi32, #tpu.memory_space<vmem>>
    %dma_wait3A_451 = arith.constant 0 : i32
    %dma_wait3A_452 = arith.constant 0 : i32
    %dma_wait3A_453 = tpu.memref_slice %arg4[%dma_wait3A_451, %dma_wait3A_452] : memref<100000x128xf32, #tpu.memory_space<hbm>> -> memref<100000x128xf32, #tpu.memory_space<hbm>>
    tpu.wait_indirect_dma semaphore(%arg16 : memref<!tpu.dma_semaphore, #tpu.memory_space<semaphore_mem>>) src(%dma_wait3A_453 : memref<100000x128xf32, #tpu.memory_space<hbm>>) dst(%arg14 : memref<128x128xf32, #tpu.memory_space<vmem>>)
    %dma_wait3A_454 = arith.constant 6 : i32
    %dma_wait3A_455 = arith.constant 0 : i32
    %dma_wait3A_456 = tpu.memref_slice %arg10[%dma_wait3A_454, %dma_wait3A_455] : memref<10x128xi32, #tpu.memory_space<vmem>> -> memref<1x128xi32, #tpu.memory_space<vmem>>
    %dma_wait3A_457 = tpu.memref_squeeze %dma_wait3A_456 : memref<1x128xi32, #tpu.memory_space<vmem>> -> memref<128xi32, #tpu.memory_space<vmem>>
    %dma_wait3A_458 = arith.constant 0 : i32
    %dma_wait3A_459 = arith.constant 0 : i32
    %dma_wait3A_460 = tpu.memref_slice %arg4[%dma_wait3A_458, %dma_wait3A_459] : memref<100000x128xf32, #tpu.memory_space<hbm>> -> memref<100000x128xf32, #tpu.memory_space<hbm>>
    tpu.wait_indirect_dma semaphore(%arg16 : memref<!tpu.dma_semaphore, #tpu.memory_space<semaphore_mem>>) src(%dma_wait3A_460 : memref<100000x128xf32, #tpu.memory_space<hbm>>) dst(%arg14 : memref<128x128xf32, #tpu.memory_space<vmem>>)
    %dma_wait3A_461 = arith.constant 7 : i32
    %dma_wait3A_462 = arith.constant 0 : i32
    %dma_wait3A_463 = tpu.memref_slice %arg10[%dma_wait3A_461, %dma_wait3A_462] : memref<10x128xi32, #tpu.memory_space<vmem>> -> memref<1x128xi32, #tpu.memory_space<vmem>>
    %dma_wait3A_464 = tpu.memref_squeeze %dma_wait3A_463 : memref<1x128xi32, #tpu.memory_space<vmem>> -> memref<128xi32, #tpu.memory_space<vmem>>
    %dma_wait3A_465 = arith.constant 0 : i32
    %dma_wait3A_466 = arith.constant 0 : i32
    %dma_wait3A_467 = tpu.memref_slice %arg4[%dma_wait3A_465, %dma_wait3A_466] : memref<100000x128xf32, #tpu.memory_space<hbm>> -> memref<100000x128xf32, #tpu.memory_space<hbm>>
    tpu.wait_indirect_dma semaphore(%arg16 : memref<!tpu.dma_semaphore, #tpu.memory_space<semaphore_mem>>) src(%dma_wait3A_467 : memref<100000x128xf32, #tpu.memory_space<hbm>>) dst(%arg14 : memref<128x128xf32, #tpu.memory_space<vmem>>)
    %dma_wait3A_468 = arith.constant 8 : i32
    %dma_wait3A_469 = arith.constant 0 : i32
    %dma_wait3A_470 = tpu.memref_slice %arg10[%dma_wait3A_468, %dma_wait3A_469] : memref<10x128xi32, #tpu.memory_space<vmem>> -> memref<1x128xi32, #tpu.memory_space<vmem>>
    %dma_wait3A_471 = tpu.memref_squeeze %dma_wait3A_470 : memref<1x128xi32, #tpu.memory_space<vmem>> -> memref<128xi32, #tpu.memory_space<vmem>>
    %dma_wait3A_472 = arith.constant 0 : i32
    %dma_wait3A_473 = arith.constant 0 : i32
    %dma_wait3A_474 = tpu.memref_slice %arg4[%dma_wait3A_472, %dma_wait3A_473] : memref<100000x128xf32, #tpu.memory_space<hbm>> -> memref<100000x128xf32, #tpu.memory_space<hbm>>
    tpu.wait_indirect_dma semaphore(%arg16 : memref<!tpu.dma_semaphore, #tpu.memory_space<semaphore_mem>>) src(%dma_wait3A_474 : memref<100000x128xf32, #tpu.memory_space<hbm>>) dst(%arg14 : memref<128x128xf32, #tpu.memory_space<vmem>>)
    %dma_wait3A_475 = arith.constant 9 : i32
    %dma_wait3A_476 = arith.constant 0 : i32
    %dma_wait3A_477 = tpu.memref_slice %arg10[%dma_wait3A_475, %dma_wait3A_476] : memref<10x128xi32, #tpu.memory_space<vmem>> -> memref<1x128xi32, #tpu.memory_space<vmem>>
    %dma_wait3A_478 = tpu.memref_squeeze %dma_wait3A_477 : memref<1x128xi32, #tpu.memory_space<vmem>> -> memref<128xi32, #tpu.memory_space<vmem>>
    %dma_wait3A_479 = arith.constant 0 : i32
    %dma_wait3A_480 = arith.constant 0 : i32
    %dma_wait3A_481 = tpu.memref_slice %arg4[%dma_wait3A_479, %dma_wait3A_480] : memref<100000x128xf32, #tpu.memory_space<hbm>> -> memref<100000x128xf32, #tpu.memory_space<hbm>>
    tpu.wait_indirect_dma semaphore(%arg16 : memref<!tpu.dma_semaphore, #tpu.memory_space<semaphore_mem>>) src(%dma_wait3A_481 : memref<100000x128xf32, #tpu.memory_space<hbm>>) dst(%arg14 : memref<128x128xf32, #tpu.memory_space<vmem>>)
    %mul3A_482 = arith.constant 4 : i32
    %mul3A_483 = arith.muli %add3A, %mul3A_482 : i32
    %add3A_484 = arith.constant 3 : i32
    %add3A_485 = arith.addi %mul3A_483, %add3A_484 : i32
    %mul3A_486 = arith.constant 128 : i32
    %mul3A_487 = arith.muli %add3A_485, %mul3A_486 : i32
    %dma_start3A_488 = tpu.memref_slice %arg2[%mul3A_487] : memref<16384xi32, #tpu.memory_space<hbm>> -> memref<128xi32, #tpu.memory_space<hbm>>
    %dma_start3A_489 = tpu.memref_slice %arg2[%mul3A_487] : memref<16384xi32, #tpu.memory_space<hbm>> -> memref<128xi32, #tpu.memory_space<hbm>>
    tpu.enqueue_dma source(%dma_start3A_489 : memref<128xi32, #tpu.memory_space<hbm>>) target(%arg8 : memref<128xi32, #tpu.memory_space<vmem>>) target_semaphore(%arg22 : memref<!tpu.dma_semaphore, #tpu.memory_space<semaphore_mem>>)
    %dma_start3A_490 = arith.constant 0 : i32
    %dma_start3A_491 = arith.constant 0 : i32
    %dma_start3A_492 = tpu.memref_slice %arg3[%add3A_485, %dma_start3A_490, %dma_start3A_491] : memref<128x10x128xi32, #tpu.memory_space<hbm>> -> memref<1x10x128xi32, #tpu.memory_space<hbm>>
    %dma_start3A_493 = tpu.memref_squeeze %dma_start3A_492 : memref<1x10x128xi32, #tpu.memory_space<hbm>> -> memref<10x128xi32, #tpu.memory_space<hbm>>
    %dma_start3A_494 = arith.constant 0 : i32
    %dma_start3A_495 = arith.constant 0 : i32
    %dma_start3A_496 = tpu.memref_slice %arg3[%add3A_485, %dma_start3A_494, %dma_start3A_495] : memref<128x10x128xi32, #tpu.memory_space<hbm>> -> memref<1x10x128xi32, #tpu.memory_space<hbm>>
    %dma_start3A_497 = tpu.memref_squeeze %dma_start3A_496 : memref<1x10x128xi32, #tpu.memory_space<hbm>> -> memref<10x128xi32, #tpu.memory_space<hbm>>
    tpu.enqueue_dma source(%dma_start3A_497 : memref<10x128xi32, #tpu.memory_space<hbm>>) target(%arg10 : memref<10x128xi32, #tpu.memory_space<vmem>>) target_semaphore(%arg22 : memref<!tpu.dma_semaphore, #tpu.memory_space<semaphore_mem>>)
    %mul3A_498 = arith.constant 4 : i32
    %mul3A_499 = arith.muli %add3A, %mul3A_498 : i32
    %add3A_500 = arith.constant 1 : i32
    %add3A_501 = arith.addi %mul3A_499, %add3A_500 : i32
    %mul3A_502 = arith.constant 128 : i32
    %mul3A_503 = arith.muli %add3A_501, %mul3A_502 : i32
    %dma_start3A_504 = arith.constant 0 : i32
    %dma_start3A_505 = tpu.memref_slice %arg5[%mul3A_503, %dma_start3A_504] : memref<16384x128xf32, #tpu.memory_space<hbm>> -> memref<128x128xf32, #tpu.memory_space<hbm>>
    %dma_start3A_506 = arith.constant 0 : i32
    %dma_start3A_507 = tpu.memref_slice %arg5[%mul3A_503, %dma_start3A_506] : memref<16384x128xf32, #tpu.memory_space<hbm>> -> memref<128x128xf32, #tpu.memory_space<hbm>>
    tpu.enqueue_dma source(%arg12 : memref<128x128xf32, #tpu.memory_space<vmem>>) target(%dma_start3A_507 : memref<128x128xf32, #tpu.memory_space<hbm>>) target_semaphore(%arg18 : memref<!tpu.dma_semaphore, #tpu.memory_space<semaphore_mem>>)
    %dma_start3A_508 = arith.constant 0 : i32
    %dma_start3A_509 = tpu.memref_slice %arg6[%mul3A_503, %dma_start3A_508] : memref<16384x128xf32, #tpu.memory_space<hbm>> -> memref<128x128xf32, #tpu.memory_space<hbm>>
    %dma_start3A_510 = arith.constant 0 : i32
    %dma_start3A_511 = tpu.memref_slice %arg6[%mul3A_503, %dma_start3A_510] : memref<16384x128xf32, #tpu.memory_space<hbm>> -> memref<128x128xf32, #tpu.memory_space<hbm>>
    tpu.enqueue_dma source(%arg14 : memref<128x128xf32, #tpu.memory_space<vmem>>) target(%dma_start3A_511 : memref<128x128xf32, #tpu.memory_space<hbm>>) target_semaphore(%arg20 : memref<!tpu.dma_semaphore, #tpu.memory_space<semaphore_mem>>)
    %dma_wait3A_512 = arith.constant 0 : i32
    %dma_wait3A_513 = tpu.memref_slice %arg5[%mul3A_503, %dma_wait3A_512] : memref<16384x128xf32, #tpu.memory_space<hbm>> -> memref<128x128xf32, #tpu.memory_space<hbm>>
    %dma_wait3A_514 = arith.constant 0 : i32
    %dma_wait3A_515 = tpu.memref_slice %arg5[%mul3A_503, %dma_wait3A_514] : memref<16384x128xf32, #tpu.memory_space<hbm>> -> memref<128x128xf32, #tpu.memory_space<hbm>>
    tpu.wait_dma2 semaphore(%arg18 : memref<!tpu.dma_semaphore, #tpu.memory_space<semaphore_mem>>) src(%arg12 : memref<128x128xf32, #tpu.memory_space<vmem>>) dst(%dma_wait3A_515 : memref<128x128xf32, #tpu.memory_space<hbm>>)
    %dma_wait3A_516 = arith.constant 0 : i32
    %dma_wait3A_517 = tpu.memref_slice %arg6[%mul3A_503, %dma_wait3A_516] : memref<16384x128xf32, #tpu.memory_space<hbm>> -> memref<128x128xf32, #tpu.memory_space<hbm>>
    %dma_wait3A_518 = arith.constant 0 : i32
    %dma_wait3A_519 = tpu.memref_slice %arg6[%mul3A_503, %dma_wait3A_518] : memref<16384x128xf32, #tpu.memory_space<hbm>> -> memref<128x128xf32, #tpu.memory_space<hbm>>
    tpu.wait_dma2 semaphore(%arg20 : memref<!tpu.dma_semaphore, #tpu.memory_space<semaphore_mem>>) src(%arg14 : memref<128x128xf32, #tpu.memory_space<vmem>>) dst(%dma_wait3A_519 : memref<128x128xf32, #tpu.memory_space<hbm>>)
    %scan3A_520 = arith.constant 0 : i32
    %scan3A_521 = arith.constant 0 : i32
    %scan3A_522 = arith.constant 128 : i32
    %scan3A_523 = arith.addi %scan3A_521, %scan3A_522 : i32
    %scan3A_524 = arith.constant 1 : i32
    scf.for %scan3A_799 = %scan3A_521 to %scan3A_523 step %scan3A_524  : i32 {
      %swap3A = arith.index_cast %scan3A_799 : i32 to index
      %swap3A_800 = arith.constant 0 : index
      %swap3A_801 = tpu.vector_load %arg14[%swap3A, %swap3A_800] {strides = array<i32>} : memref<128x128xf32, #tpu.memory_space<vmem>>, vector<1x16xf32>,
      %swap3A_802 = vector.shape_cast %swap3A_801 : vector<1x16xf32> to vector<16xf32>
      %swap3A_803 = vector.shape_cast %broadcast_in_dim3A_1 : vector<16xf32> to vector<1x16xf32>
      tpu.vector_store %arg14[%swap3A, %swap3A_800], %swap3A_803 {strides = array<i32>} : memref<128x128xf32, #tpu.memory_space<vmem>>, vector<1x16xf32>,
      %swap3A_804 = arith.index_cast %scan3A_799 : i32 to index
      %swap3A_805 = arith.constant 16 : index
      %swap3A_806 = tpu.vector_load %arg14[%swap3A_804, %swap3A_805] {strides = array<i32>} : memref<128x128xf32, #tpu.memory_space<vmem>>, vector<1x16xf32>,
      %swap3A_807 = vector.shape_cast %swap3A_806 : vector<1x16xf32> to vector<16xf32>
      %swap3A_808 = vector.shape_cast %broadcast_in_dim3A_1 : vector<16xf32> to vector<1x16xf32>
      tpu.vector_store %arg14[%swap3A_804, %swap3A_805], %swap3A_808 {strides = array<i32>} : memref<128x128xf32, #tpu.memory_space<vmem>>, vector<1x16xf32>,
      %swap3A_809 = arith.index_cast %scan3A_799 : i32 to index
      %swap3A_810 = arith.constant 32 : index
      %swap3A_811 = tpu.vector_load %arg14[%swap3A_809, %swap3A_810] {strides = array<i32>} : memref<128x128xf32, #tpu.memory_space<vmem>>, vector<1x16xf32>,
      %swap3A_812 = vector.shape_cast %swap3A_811 : vector<1x16xf32> to vector<16xf32>
      %swap3A_813 = vector.shape_cast %broadcast_in_dim3A_1 : vector<16xf32> to vector<1x16xf32>
      tpu.vector_store %arg14[%swap3A_809, %swap3A_810], %swap3A_813 {strides = array<i32>} : memref<128x128xf32, #tpu.memory_space<vmem>>, vector<1x16xf32>,
      %swap3A_814 = arith.index_cast %scan3A_799 : i32 to index
      %swap3A_815 = arith.constant 48 : index
      %swap3A_816 = tpu.vector_load %arg14[%swap3A_814, %swap3A_815] {strides = array<i32>} : memref<128x128xf32, #tpu.memory_space<vmem>>, vector<1x16xf32>,
      %swap3A_817 = vector.shape_cast %swap3A_816 : vector<1x16xf32> to vector<16xf32>
      %swap3A_818 = vector.shape_cast %broadcast_in_dim3A_1 : vector<16xf32> to vector<1x16xf32>
      tpu.vector_store %arg14[%swap3A_814, %swap3A_815], %swap3A_818 {strides = array<i32>} : memref<128x128xf32, #tpu.memory_space<vmem>>, vector<1x16xf32>,
      %swap3A_819 = arith.index_cast %scan3A_799 : i32 to index
      %swap3A_820 = arith.constant 64 : index
      %swap3A_821 = tpu.vector_load %arg14[%swap3A_819, %swap3A_820] {strides = array<i32>} : memref<128x128xf32, #tpu.memory_space<vmem>>, vector<1x16xf32>,
      %swap3A_822 = vector.shape_cast %swap3A_821 : vector<1x16xf32> to vector<16xf32>
      %swap3A_823 = vector.shape_cast %broadcast_in_dim3A_1 : vector<16xf32> to vector<1x16xf32>
      tpu.vector_store %arg14[%swap3A_819, %swap3A_820], %swap3A_823 {strides = array<i32>} : memref<128x128xf32, #tpu.memory_space<vmem>>, vector<1x16xf32>,
      %swap3A_824 = arith.index_cast %scan3A_799 : i32 to index
      %swap3A_825 = arith.constant 80 : index
      %swap3A_826 = tpu.vector_load %arg14[%swap3A_824, %swap3A_825] {strides = array<i32>} : memref<128x128xf32, #tpu.memory_space<vmem>>, vector<1x16xf32>,
      %swap3A_827 = vector.shape_cast %swap3A_826 : vector<1x16xf32> to vector<16xf32>
      %swap3A_828 = vector.shape_cast %broadcast_in_dim3A_1 : vector<16xf32> to vector<1x16xf32>
      tpu.vector_store %arg14[%swap3A_824, %swap3A_825], %swap3A_828 {strides = array<i32>} : memref<128x128xf32, #tpu.memory_space<vmem>>, vector<1x16xf32>,
      %swap3A_829 = arith.index_cast %scan3A_799 : i32 to index
      %swap3A_830 = arith.constant 96 : index
      %swap3A_831 = tpu.vector_load %arg14[%swap3A_829, %swap3A_830] {strides = array<i32>} : memref<128x128xf32, #tpu.memory_space<vmem>>, vector<1x16xf32>,
      %swap3A_832 = vector.shape_cast %swap3A_831 : vector<1x16xf32> to vector<16xf32>
      %swap3A_833 = vector.shape_cast %broadcast_in_dim3A_1 : vector<16xf32> to vector<1x16xf32>
      tpu.vector_store %arg14[%swap3A_829, %swap3A_830], %swap3A_833 {strides = array<i32>} : memref<128x128xf32, #tpu.memory_space<vmem>>, vector<1x16xf32>,
      %swap3A_834 = arith.index_cast %scan3A_799 : i32 to index
      %swap3A_835 = arith.constant 112 : index
      %swap3A_836 = tpu.vector_load %arg14[%swap3A_834, %swap3A_835] {strides = array<i32>} : memref<128x128xf32, #tpu.memory_space<vmem>>, vector<1x16xf32>,
      %swap3A_837 = vector.shape_cast %swap3A_836 : vector<1x16xf32> to vector<16xf32>
      %swap3A_838 = vector.shape_cast %broadcast_in_dim3A_1 : vector<16xf32> to vector<1x16xf32>
      tpu.vector_store %arg14[%swap3A_834, %swap3A_835], %swap3A_838 {strides = array<i32>} : memref<128x128xf32, #tpu.memory_space<vmem>>, vector<1x16xf32>,
    }
    %scan3A_525 = arith.constant 128 : i32
    %dma_wait3A_526 = tpu.memref_slice %arg2[%mul3A_487] : memref<16384xi32, #tpu.memory_space<hbm>> -> memref<128xi32, #tpu.memory_space<hbm>>
    %dma_wait3A_527 = tpu.memref_slice %arg2[%mul3A_487] : memref<16384xi32, #tpu.memory_space<hbm>> -> memref<128xi32, #tpu.memory_space<hbm>>
    tpu.wait_dma2 semaphore(%arg22 : memref<!tpu.dma_semaphore, #tpu.memory_space<semaphore_mem>>) src(%dma_wait3A_527 : memref<128xi32, #tpu.memory_space<hbm>>) dst(%arg8 : memref<128xi32, #tpu.memory_space<vmem>>)
    %dma_wait3A_528 = arith.constant 0 : i32
    %dma_wait3A_529 = arith.constant 0 : i32
    %dma_wait3A_530 = tpu.memref_slice %arg3[%add3A_485, %dma_wait3A_528, %dma_wait3A_529] : memref<128x10x128xi32, #tpu.memory_space<hbm>> -> memref<1x10x128xi32, #tpu.memory_space<hbm>>
    %dma_wait3A_531 = tpu.memref_squeeze %dma_wait3A_530 : memref<1x10x128xi32, #tpu.memory_space<hbm>> -> memref<10x128xi32, #tpu.memory_space<hbm>>
    %dma_wait3A_532 = arith.constant 0 : i32
    %dma_wait3A_533 = arith.constant 0 : i32
    %dma_wait3A_534 = tpu.memref_slice %arg3[%add3A_485, %dma_wait3A_532, %dma_wait3A_533] : memref<128x10x128xi32, #tpu.memory_space<hbm>> -> memref<1x10x128xi32, #tpu.memory_space<hbm>>
    %dma_wait3A_535 = tpu.memref_squeeze %dma_wait3A_534 : memref<1x10x128xi32, #tpu.memory_space<hbm>> -> memref<10x128xi32, #tpu.memory_space<hbm>>
    tpu.wait_dma2 semaphore(%arg22 : memref<!tpu.dma_semaphore, #tpu.memory_space<semaphore_mem>>) src(%dma_wait3A_535 : memref<10x128xi32, #tpu.memory_space<hbm>>) dst(%arg10 : memref<10x128xi32, #tpu.memory_space<vmem>>)
    %dma_start3A_536 = arith.constant 0 : i32
    %dma_start3A_537 = arith.constant 0 : i32
    %dma_start3A_538 = tpu.memref_slice %arg4[%dma_start3A_536, %dma_start3A_537] : memref<100000x128xf32, #tpu.memory_space<hbm>> -> memref<100000x128xf32, #tpu.memory_space<hbm>>
    tpu.enqueue_indirect_dma source(%dma_start3A_538 : memref<100000x128xf32, #tpu.memory_space<hbm>>) target(%arg12 : memref<128x128xf32, #tpu.memory_space<vmem>>) offsets(%arg8 : memref<128xi32, #tpu.memory_space<vmem>>) semaphore(%arg16 : memref<!tpu.dma_semaphore, #tpu.memory_space<semaphore_mem>>)
    %dma_start3A_539 = arith.constant 0 : i32
    %dma_start3A_540 = arith.constant 0 : i32
    %dma_start3A_541 = tpu.memref_slice %arg10[%dma_start3A_539, %dma_start3A_540] : memref<10x128xi32, #tpu.memory_space<vmem>> -> memref<1x128xi32, #tpu.memory_space<vmem>>
    %dma_start3A_542 = tpu.memref_squeeze %dma_start3A_541 : memref<1x128xi32, #tpu.memory_space<vmem>> -> memref<128xi32, #tpu.memory_space<vmem>>
    %dma_start3A_543 = arith.constant 0 : i32
    %dma_start3A_544 = arith.constant 0 : i32
    %dma_start3A_545 = tpu.memref_slice %arg4[%dma_start3A_543, %dma_start3A_544] : memref<100000x128xf32, #tpu.memory_space<hbm>> -> memref<100000x128xf32, #tpu.memory_space<hbm>>
    tpu.enqueue_indirect_dma source(%dma_start3A_545 : memref<100000x128xf32, #tpu.memory_space<hbm>>) target(%arg14 : memref<128x128xf32, #tpu.memory_space<vmem>>) offsets(%dma_start3A_542 : memref<128xi32, #tpu.memory_space<vmem>>) semaphore(%arg16 : memref<!tpu.dma_semaphore, #tpu.memory_space<semaphore_mem>>) {add = true}
    %dma_start3A_546 = arith.constant 1 : i32
    %dma_start3A_547 = arith.constant 0 : i32
    %dma_start3A_548 = tpu.memref_slice %arg10[%dma_start3A_546, %dma_start3A_547] : memref<10x128xi32, #tpu.memory_space<vmem>> -> memref<1x128xi32, #tpu.memory_space<vmem>>
    %dma_start3A_549 = tpu.memref_squeeze %dma_start3A_548 : memref<1x128xi32, #tpu.memory_space<vmem>> -> memref<128xi32, #tpu.memory_space<vmem>>
    %dma_start3A_550 = arith.constant 0 : i32
    %dma_start3A_551 = arith.constant 0 : i32
    %dma_start3A_552 = tpu.memref_slice %arg4[%dma_start3A_550, %dma_start3A_551] : memref<100000x128xf32, #tpu.memory_space<hbm>> -> memref<100000x128xf32, #tpu.memory_space<hbm>>
    tpu.enqueue_indirect_dma source(%dma_start3A_552 : memref<100000x128xf32, #tpu.memory_space<hbm>>) target(%arg14 : memref<128x128xf32, #tpu.memory_space<vmem>>) offsets(%dma_start3A_549 : memref<128xi32, #tpu.memory_space<vmem>>) semaphore(%arg16 : memref<!tpu.dma_semaphore, #tpu.memory_space<semaphore_mem>>) {add = true}
    %dma_start3A_553 = arith.constant 2 : i32
    %dma_start3A_554 = arith.constant 0 : i32
    %dma_start3A_555 = tpu.memref_slice %arg10[%dma_start3A_553, %dma_start3A_554] : memref<10x128xi32, #tpu.memory_space<vmem>> -> memref<1x128xi32, #tpu.memory_space<vmem>>
    %dma_start3A_556 = tpu.memref_squeeze %dma_start3A_555 : memref<1x128xi32, #tpu.memory_space<vmem>> -> memref<128xi32, #tpu.memory_space<vmem>>
    %dma_start3A_557 = arith.constant 0 : i32
    %dma_start3A_558 = arith.constant 0 : i32
    %dma_start3A_559 = tpu.memref_slice %arg4[%dma_start3A_557, %dma_start3A_558] : memref<100000x128xf32, #tpu.memory_space<hbm>> -> memref<100000x128xf32, #tpu.memory_space<hbm>>
    tpu.enqueue_indirect_dma source(%dma_start3A_559 : memref<100000x128xf32, #tpu.memory_space<hbm>>) target(%arg14 : memref<128x128xf32, #tpu.memory_space<vmem>>) offsets(%dma_start3A_556 : memref<128xi32, #tpu.memory_space<vmem>>) semaphore(%arg16 : memref<!tpu.dma_semaphore, #tpu.memory_space<semaphore_mem>>) {add = true}
    %dma_start3A_560 = arith.constant 3 : i32
    %dma_start3A_561 = arith.constant 0 : i32
    %dma_start3A_562 = tpu.memref_slice %arg10[%dma_start3A_560, %dma_start3A_561] : memref<10x128xi32, #tpu.memory_space<vmem>> -> memref<1x128xi32, #tpu.memory_space<vmem>>
    %dma_start3A_563 = tpu.memref_squeeze %dma_start3A_562 : memref<1x128xi32, #tpu.memory_space<vmem>> -> memref<128xi32, #tpu.memory_space<vmem>>
    %dma_start3A_564 = arith.constant 0 : i32
    %dma_start3A_565 = arith.constant 0 : i32
    %dma_start3A_566 = tpu.memref_slice %arg4[%dma_start3A_564, %dma_start3A_565] : memref<100000x128xf32, #tpu.memory_space<hbm>> -> memref<100000x128xf32, #tpu.memory_space<hbm>>
    tpu.enqueue_indirect_dma source(%dma_start3A_566 : memref<100000x128xf32, #tpu.memory_space<hbm>>) target(%arg14 : memref<128x128xf32, #tpu.memory_space<vmem>>) offsets(%dma_start3A_563 : memref<128xi32, #tpu.memory_space<vmem>>) semaphore(%arg16 : memref<!tpu.dma_semaphore, #tpu.memory_space<semaphore_mem>>) {add = true}
    %dma_start3A_567 = arith.constant 4 : i32
    %dma_start3A_568 = arith.constant 0 : i32
    %dma_start3A_569 = tpu.memref_slice %arg10[%dma_start3A_567, %dma_start3A_568] : memref<10x128xi32, #tpu.memory_space<vmem>> -> memref<1x128xi32, #tpu.memory_space<vmem>>
    %dma_start3A_570 = tpu.memref_squeeze %dma_start3A_569 : memref<1x128xi32, #tpu.memory_space<vmem>> -> memref<128xi32, #tpu.memory_space<vmem>>
    %dma_start3A_571 = arith.constant 0 : i32
    %dma_start3A_572 = arith.constant 0 : i32
    %dma_start3A_573 = tpu.memref_slice %arg4[%dma_start3A_571, %dma_start3A_572] : memref<100000x128xf32, #tpu.memory_space<hbm>> -> memref<100000x128xf32, #tpu.memory_space<hbm>>
    tpu.enqueue_indirect_dma source(%dma_start3A_573 : memref<100000x128xf32, #tpu.memory_space<hbm>>) target(%arg14 : memref<128x128xf32, #tpu.memory_space<vmem>>) offsets(%dma_start3A_570 : memref<128xi32, #tpu.memory_space<vmem>>) semaphore(%arg16 : memref<!tpu.dma_semaphore, #tpu.memory_space<semaphore_mem>>) {add = true}
    %dma_start3A_574 = arith.constant 5 : i32
    %dma_start3A_575 = arith.constant 0 : i32
    %dma_start3A_576 = tpu.memref_slice %arg10[%dma_start3A_574, %dma_start3A_575] : memref<10x128xi32, #tpu.memory_space<vmem>> -> memref<1x128xi32, #tpu.memory_space<vmem>>
    %dma_start3A_577 = tpu.memref_squeeze %dma_start3A_576 : memref<1x128xi32, #tpu.memory_space<vmem>> -> memref<128xi32, #tpu.memory_space<vmem>>
    %dma_start3A_578 = arith.constant 0 : i32
    %dma_start3A_579 = arith.constant 0 : i32
    %dma_start3A_580 = tpu.memref_slice %arg4[%dma_start3A_578, %dma_start3A_579] : memref<100000x128xf32, #tpu.memory_space<hbm>> -> memref<100000x128xf32, #tpu.memory_space<hbm>>
    tpu.enqueue_indirect_dma source(%dma_start3A_580 : memref<100000x128xf32, #tpu.memory_space<hbm>>) target(%arg14 : memref<128x128xf32, #tpu.memory_space<vmem>>) offsets(%dma_start3A_577 : memref<128xi32, #tpu.memory_space<vmem>>) semaphore(%arg16 : memref<!tpu.dma_semaphore, #tpu.memory_space<semaphore_mem>>) {add = true}
    %dma_start3A_581 = arith.constant 6 : i32
    %dma_start3A_582 = arith.constant 0 : i32
    %dma_start3A_583 = tpu.memref_slice %arg10[%dma_start3A_581, %dma_start3A_582] : memref<10x128xi32, #tpu.memory_space<vmem>> -> memref<1x128xi32, #tpu.memory_space<vmem>>
    %dma_start3A_584 = tpu.memref_squeeze %dma_start3A_583 : memref<1x128xi32, #tpu.memory_space<vmem>> -> memref<128xi32, #tpu.memory_space<vmem>>
    %dma_start3A_585 = arith.constant 0 : i32
    %dma_start3A_586 = arith.constant 0 : i32
    %dma_start3A_587 = tpu.memref_slice %arg4[%dma_start3A_585, %dma_start3A_586] : memref<100000x128xf32, #tpu.memory_space<hbm>> -> memref<100000x128xf32, #tpu.memory_space<hbm>>
    tpu.enqueue_indirect_dma source(%dma_start3A_587 : memref<100000x128xf32, #tpu.memory_space<hbm>>) target(%arg14 : memref<128x128xf32, #tpu.memory_space<vmem>>) offsets(%dma_start3A_584 : memref<128xi32, #tpu.memory_space<vmem>>) semaphore(%arg16 : memref<!tpu.dma_semaphore, #tpu.memory_space<semaphore_mem>>) {add = true}
    %dma_start3A_588 = arith.constant 7 : i32
    %dma_start3A_589 = arith.constant 0 : i32
    %dma_start3A_590 = tpu.memref_slice %arg10[%dma_start3A_588, %dma_start3A_589] : memref<10x128xi32, #tpu.memory_space<vmem>> -> memref<1x128xi32, #tpu.memory_space<vmem>>
    %dma_start3A_591 = tpu.memref_squeeze %dma_start3A_590 : memref<1x128xi32, #tpu.memory_space<vmem>> -> memref<128xi32, #tpu.memory_space<vmem>>
    %dma_start3A_592 = arith.constant 0 : i32
    %dma_start3A_593 = arith.constant 0 : i32
    %dma_start3A_594 = tpu.memref_slice %arg4[%dma_start3A_592, %dma_start3A_593] : memref<100000x128xf32, #tpu.memory_space<hbm>> -> memref<100000x128xf32, #tpu.memory_space<hbm>>
    tpu.enqueue_indirect_dma source(%dma_start3A_594 : memref<100000x128xf32, #tpu.memory_space<hbm>>) target(%arg14 : memref<128x128xf32, #tpu.memory_space<vmem>>) offsets(%dma_start3A_591 : memref<128xi32, #tpu.memory_space<vmem>>) semaphore(%arg16 : memref<!tpu.dma_semaphore, #tpu.memory_space<semaphore_mem>>) {add = true}
    %dma_start3A_595 = arith.constant 8 : i32
    %dma_start3A_596 = arith.constant 0 : i32
    %dma_start3A_597 = tpu.memref_slice %arg10[%dma_start3A_595, %dma_start3A_596] : memref<10x128xi32, #tpu.memory_space<vmem>> -> memref<1x128xi32, #tpu.memory_space<vmem>>
    %dma_start3A_598 = tpu.memref_squeeze %dma_start3A_597 : memref<1x128xi32, #tpu.memory_space<vmem>> -> memref<128xi32, #tpu.memory_space<vmem>>
    %dma_start3A_599 = arith.constant 0 : i32
    %dma_start3A_600 = arith.constant 0 : i32
    %dma_start3A_601 = tpu.memref_slice %arg4[%dma_start3A_599, %dma_start3A_600] : memref<100000x128xf32, #tpu.memory_space<hbm>> -> memref<100000x128xf32, #tpu.memory_space<hbm>>
    tpu.enqueue_indirect_dma source(%dma_start3A_601 : memref<100000x128xf32, #tpu.memory_space<hbm>>) target(%arg14 : memref<128x128xf32, #tpu.memory_space<vmem>>) offsets(%dma_start3A_598 : memref<128xi32, #tpu.memory_space<vmem>>) semaphore(%arg16 : memref<!tpu.dma_semaphore, #tpu.memory_space<semaphore_mem>>) {add = true}
    %dma_start3A_602 = arith.constant 9 : i32
    %dma_start3A_603 = arith.constant 0 : i32
    %dma_start3A_604 = tpu.memref_slice %arg10[%dma_start3A_602, %dma_start3A_603] : memref<10x128xi32, #tpu.memory_space<vmem>> -> memref<1x128xi32, #tpu.memory_space<vmem>>
    %dma_start3A_605 = tpu.memref_squeeze %dma_start3A_604 : memref<1x128xi32, #tpu.memory_space<vmem>> -> memref<128xi32, #tpu.memory_space<vmem>>
    %dma_start3A_606 = arith.constant 0 : i32
    %dma_start3A_607 = arith.constant 0 : i32
    %dma_start3A_608 = tpu.memref_slice %arg4[%dma_start3A_606, %dma_start3A_607] : memref<100000x128xf32, #tpu.memory_space<hbm>> -> memref<100000x128xf32, #tpu.memory_space<hbm>>
    tpu.enqueue_indirect_dma source(%dma_start3A_608 : memref<100000x128xf32, #tpu.memory_space<hbm>>) target(%arg14 : memref<128x128xf32, #tpu.memory_space<vmem>>) offsets(%dma_start3A_605 : memref<128xi32, #tpu.memory_space<vmem>>) semaphore(%arg16 : memref<!tpu.dma_semaphore, #tpu.memory_space<semaphore_mem>>) {add = true}
    %dma_wait3A_609 = arith.constant 0 : i32
    %dma_wait3A_610 = arith.constant 0 : i32
    %dma_wait3A_611 = tpu.memref_slice %arg4[%dma_wait3A_609, %dma_wait3A_610] : memref<100000x128xf32, #tpu.memory_space<hbm>> -> memref<100000x128xf32, #tpu.memory_space<hbm>>
    tpu.wait_indirect_dma semaphore(%arg15 : memref<!tpu.dma_semaphore, #tpu.memory_space<semaphore_mem>>) src(%dma_wait3A_611 : memref<100000x128xf32, #tpu.memory_space<hbm>>) dst(%arg11 : memref<128x128xf32, #tpu.memory_space<vmem>>)
    %dma_wait3A_612 = arith.constant 0 : i32
    %dma_wait3A_613 = arith.constant 0 : i32
    %dma_wait3A_614 = tpu.memref_slice %arg9[%dma_wait3A_612, %dma_wait3A_613] : memref<10x128xi32, #tpu.memory_space<vmem>> -> memref<1x128xi32, #tpu.memory_space<vmem>>
    %dma_wait3A_615 = tpu.memref_squeeze %dma_wait3A_614 : memref<1x128xi32, #tpu.memory_space<vmem>> -> memref<128xi32, #tpu.memory_space<vmem>>
    %dma_wait3A_616 = arith.constant 0 : i32
    %dma_wait3A_617 = arith.constant 0 : i32
    %dma_wait3A_618 = tpu.memref_slice %arg4[%dma_wait3A_616, %dma_wait3A_617] : memref<100000x128xf32, #tpu.memory_space<hbm>> -> memref<100000x128xf32, #tpu.memory_space<hbm>>
    tpu.wait_indirect_dma semaphore(%arg15 : memref<!tpu.dma_semaphore, #tpu.memory_space<semaphore_mem>>) src(%dma_wait3A_618 : memref<100000x128xf32, #tpu.memory_space<hbm>>) dst(%arg13 : memref<128x128xf32, #tpu.memory_space<vmem>>)
    %dma_wait3A_619 = arith.constant 1 : i32
    %dma_wait3A_620 = arith.constant 0 : i32
    %dma_wait3A_621 = tpu.memref_slice %arg9[%dma_wait3A_619, %dma_wait3A_620] : memref<10x128xi32, #tpu.memory_space<vmem>> -> memref<1x128xi32, #tpu.memory_space<vmem>>
    %dma_wait3A_622 = tpu.memref_squeeze %dma_wait3A_621 : memref<1x128xi32, #tpu.memory_space<vmem>> -> memref<128xi32, #tpu.memory_space<vmem>>
    %dma_wait3A_623 = arith.constant 0 : i32
    %dma_wait3A_624 = arith.constant 0 : i32
    %dma_wait3A_625 = tpu.memref_slice %arg4[%dma_wait3A_623, %dma_wait3A_624] : memref<100000x128xf32, #tpu.memory_space<hbm>> -> memref<100000x128xf32, #tpu.memory_space<hbm>>
    tpu.wait_indirect_dma semaphore(%arg15 : memref<!tpu.dma_semaphore, #tpu.memory_space<semaphore_mem>>) src(%dma_wait3A_625 : memref<100000x128xf32, #tpu.memory_space<hbm>>) dst(%arg13 : memref<128x128xf32, #tpu.memory_space<vmem>>)
    %dma_wait3A_626 = arith.constant 2 : i32
    %dma_wait3A_627 = arith.constant 0 : i32
    %dma_wait3A_628 = tpu.memref_slice %arg9[%dma_wait3A_626, %dma_wait3A_627] : memref<10x128xi32, #tpu.memory_space<vmem>> -> memref<1x128xi32, #tpu.memory_space<vmem>>
    %dma_wait3A_629 = tpu.memref_squeeze %dma_wait3A_628 : memref<1x128xi32, #tpu.memory_space<vmem>> -> memref<128xi32, #tpu.memory_space<vmem>>
    %dma_wait3A_630 = arith.constant 0 : i32
    %dma_wait3A_631 = arith.constant 0 : i32
    %dma_wait3A_632 = tpu.memref_slice %arg4[%dma_wait3A_630, %dma_wait3A_631] : memref<100000x128xf32, #tpu.memory_space<hbm>> -> memref<100000x128xf32, #tpu.memory_space<hbm>>
    tpu.wait_indirect_dma semaphore(%arg15 : memref<!tpu.dma_semaphore, #tpu.memory_space<semaphore_mem>>) src(%dma_wait3A_632 : memref<100000x128xf32, #tpu.memory_space<hbm>>) dst(%arg13 : memref<128x128xf32, #tpu.memory_space<vmem>>)
    %dma_wait3A_633 = arith.constant 3 : i32
    %dma_wait3A_634 = arith.constant 0 : i32
    %dma_wait3A_635 = tpu.memref_slice %arg9[%dma_wait3A_633, %dma_wait3A_634] : memref<10x128xi32, #tpu.memory_space<vmem>> -> memref<1x128xi32, #tpu.memory_space<vmem>>
    %dma_wait3A_636 = tpu.memref_squeeze %dma_wait3A_635 : memref<1x128xi32, #tpu.memory_space<vmem>> -> memref<128xi32, #tpu.memory_space<vmem>>
    %dma_wait3A_637 = arith.constant 0 : i32
    %dma_wait3A_638 = arith.constant 0 : i32
    %dma_wait3A_639 = tpu.memref_slice %arg4[%dma_wait3A_637, %dma_wait3A_638] : memref<100000x128xf32, #tpu.memory_space<hbm>> -> memref<100000x128xf32, #tpu.memory_space<hbm>>
    tpu.wait_indirect_dma semaphore(%arg15 : memref<!tpu.dma_semaphore, #tpu.memory_space<semaphore_mem>>) src(%dma_wait3A_639 : memref<100000x128xf32, #tpu.memory_space<hbm>>) dst(%arg13 : memref<128x128xf32, #tpu.memory_space<vmem>>)
    %dma_wait3A_640 = arith.constant 4 : i32
    %dma_wait3A_641 = arith.constant 0 : i32
    %dma_wait3A_642 = tpu.memref_slice %arg9[%dma_wait3A_640, %dma_wait3A_641] : memref<10x128xi32, #tpu.memory_space<vmem>> -> memref<1x128xi32, #tpu.memory_space<vmem>>
    %dma_wait3A_643 = tpu.memref_squeeze %dma_wait3A_642 : memref<1x128xi32, #tpu.memory_space<vmem>> -> memref<128xi32, #tpu.memory_space<vmem>>
    %dma_wait3A_644 = arith.constant 0 : i32
    %dma_wait3A_645 = arith.constant 0 : i32
    %dma_wait3A_646 = tpu.memref_slice %arg4[%dma_wait3A_644, %dma_wait3A_645] : memref<100000x128xf32, #tpu.memory_space<hbm>> -> memref<100000x128xf32, #tpu.memory_space<hbm>>
    tpu.wait_indirect_dma semaphore(%arg15 : memref<!tpu.dma_semaphore, #tpu.memory_space<semaphore_mem>>) src(%dma_wait3A_646 : memref<100000x128xf32, #tpu.memory_space<hbm>>) dst(%arg13 : memref<128x128xf32, #tpu.memory_space<vmem>>)
    %dma_wait3A_647 = arith.constant 5 : i32
    %dma_wait3A_648 = arith.constant 0 : i32
    %dma_wait3A_649 = tpu.memref_slice %arg9[%dma_wait3A_647, %dma_wait3A_648] : memref<10x128xi32, #tpu.memory_space<vmem>> -> memref<1x128xi32, #tpu.memory_space<vmem>>
    %dma_wait3A_650 = tpu.memref_squeeze %dma_wait3A_649 : memref<1x128xi32, #tpu.memory_space<vmem>> -> memref<128xi32, #tpu.memory_space<vmem>>
    %dma_wait3A_651 = arith.constant 0 : i32
    %dma_wait3A_652 = arith.constant 0 : i32
    %dma_wait3A_653 = tpu.memref_slice %arg4[%dma_wait3A_651, %dma_wait3A_652] : memref<100000x128xf32, #tpu.memory_space<hbm>> -> memref<100000x128xf32, #tpu.memory_space<hbm>>
    tpu.wait_indirect_dma semaphore(%arg15 : memref<!tpu.dma_semaphore, #tpu.memory_space<semaphore_mem>>) src(%dma_wait3A_653 : memref<100000x128xf32, #tpu.memory_space<hbm>>) dst(%arg13 : memref<128x128xf32, #tpu.memory_space<vmem>>)
    %dma_wait3A_654 = arith.constant 6 : i32
    %dma_wait3A_655 = arith.constant 0 : i32
    %dma_wait3A_656 = tpu.memref_slice %arg9[%dma_wait3A_654, %dma_wait3A_655] : memref<10x128xi32, #tpu.memory_space<vmem>> -> memref<1x128xi32, #tpu.memory_space<vmem>>
    %dma_wait3A_657 = tpu.memref_squeeze %dma_wait3A_656 : memref<1x128xi32, #tpu.memory_space<vmem>> -> memref<128xi32, #tpu.memory_space<vmem>>
    %dma_wait3A_658 = arith.constant 0 : i32
    %dma_wait3A_659 = arith.constant 0 : i32
    %dma_wait3A_660 = tpu.memref_slice %arg4[%dma_wait3A_658, %dma_wait3A_659] : memref<100000x128xf32, #tpu.memory_space<hbm>> -> memref<100000x128xf32, #tpu.memory_space<hbm>>
    tpu.wait_indirect_dma semaphore(%arg15 : memref<!tpu.dma_semaphore, #tpu.memory_space<semaphore_mem>>) src(%dma_wait3A_660 : memref<100000x128xf32, #tpu.memory_space<hbm>>) dst(%arg13 : memref<128x128xf32, #tpu.memory_space<vmem>>)
    %dma_wait3A_661 = arith.constant 7 : i32
    %dma_wait3A_662 = arith.constant 0 : i32
    %dma_wait3A_663 = tpu.memref_slice %arg9[%dma_wait3A_661, %dma_wait3A_662] : memref<10x128xi32, #tpu.memory_space<vmem>> -> memref<1x128xi32, #tpu.memory_space<vmem>>
    %dma_wait3A_664 = tpu.memref_squeeze %dma_wait3A_663 : memref<1x128xi32, #tpu.memory_space<vmem>> -> memref<128xi32, #tpu.memory_space<vmem>>
    %dma_wait3A_665 = arith.constant 0 : i32
    %dma_wait3A_666 = arith.constant 0 : i32
    %dma_wait3A_667 = tpu.memref_slice %arg4[%dma_wait3A_665, %dma_wait3A_666] : memref<100000x128xf32, #tpu.memory_space<hbm>> -> memref<100000x128xf32, #tpu.memory_space<hbm>>
    tpu.wait_indirect_dma semaphore(%arg15 : memref<!tpu.dma_semaphore, #tpu.memory_space<semaphore_mem>>) src(%dma_wait3A_667 : memref<100000x128xf32, #tpu.memory_space<hbm>>) dst(%arg13 : memref<128x128xf32, #tpu.memory_space<vmem>>)
    %dma_wait3A_668 = arith.constant 8 : i32
    %dma_wait3A_669 = arith.constant 0 : i32
    %dma_wait3A_670 = tpu.memref_slice %arg9[%dma_wait3A_668, %dma_wait3A_669] : memref<10x128xi32, #tpu.memory_space<vmem>> -> memref<1x128xi32, #tpu.memory_space<vmem>>
    %dma_wait3A_671 = tpu.memref_squeeze %dma_wait3A_670 : memref<1x128xi32, #tpu.memory_space<vmem>> -> memref<128xi32, #tpu.memory_space<vmem>>
    %dma_wait3A_672 = arith.constant 0 : i32
    %dma_wait3A_673 = arith.constant 0 : i32
    %dma_wait3A_674 = tpu.memref_slice %arg4[%dma_wait3A_672, %dma_wait3A_673] : memref<100000x128xf32, #tpu.memory_space<hbm>> -> memref<100000x128xf32, #tpu.memory_space<hbm>>
    tpu.wait_indirect_dma semaphore(%arg15 : memref<!tpu.dma_semaphore, #tpu.memory_space<semaphore_mem>>) src(%dma_wait3A_674 : memref<100000x128xf32, #tpu.memory_space<hbm>>) dst(%arg13 : memref<128x128xf32, #tpu.memory_space<vmem>>)
    %dma_wait3A_675 = arith.constant 9 : i32
    %dma_wait3A_676 = arith.constant 0 : i32
    %dma_wait3A_677 = tpu.memref_slice %arg9[%dma_wait3A_675, %dma_wait3A_676] : memref<10x128xi32, #tpu.memory_space<vmem>> -> memref<1x128xi32, #tpu.memory_space<vmem>>
    %dma_wait3A_678 = tpu.memref_squeeze %dma_wait3A_677 : memref<1x128xi32, #tpu.memory_space<vmem>> -> memref<128xi32, #tpu.memory_space<vmem>>
    %dma_wait3A_679 = arith.constant 0 : i32
    %dma_wait3A_680 = arith.constant 0 : i32
    %dma_wait3A_681 = tpu.memref_slice %arg4[%dma_wait3A_679, %dma_wait3A_680] : memref<100000x128xf32, #tpu.memory_space<hbm>> -> memref<100000x128xf32, #tpu.memory_space<hbm>>
    tpu.wait_indirect_dma semaphore(%arg15 : memref<!tpu.dma_semaphore, #tpu.memory_space<semaphore_mem>>) src(%dma_wait3A_681 : memref<100000x128xf32, #tpu.memory_space<hbm>>) dst(%arg13 : memref<128x128xf32, #tpu.memory_space<vmem>>)
    %mul3A_682 = arith.constant 4 : i32
    %mul3A_683 = arith.muli %add3A, %mul3A_682 : i32
    %add3A_684 = arith.constant 2 : i32
    %add3A_685 = arith.addi %mul3A_683, %add3A_684 : i32
    %mul3A_686 = arith.constant 128 : i32
    %mul3A_687 = arith.muli %add3A_685, %mul3A_686 : i32
    %dma_start3A_688 = arith.constant 0 : i32
    %dma_start3A_689 = tpu.memref_slice %arg5[%mul3A_687, %dma_start3A_688] : memref<16384x128xf32, #tpu.memory_space<hbm>> -> memref<128x128xf32, #tpu.memory_space<hbm>>
    %dma_start3A_690 = arith.constant 0 : i32
    %dma_start3A_691 = tpu.memref_slice %arg5[%mul3A_687, %dma_start3A_690] : memref<16384x128xf32, #tpu.memory_space<hbm>> -> memref<128x128xf32, #tpu.memory_space<hbm>>
    tpu.enqueue_dma source(%arg11 : memref<128x128xf32, #tpu.memory_space<vmem>>) target(%dma_start3A_691 : memref<128x128xf32, #tpu.memory_space<hbm>>) target_semaphore(%arg17 : memref<!tpu.dma_semaphore, #tpu.memory_space<semaphore_mem>>)
    %dma_start3A_692 = arith.constant 0 : i32
    %dma_start3A_693 = tpu.memref_slice %arg6[%mul3A_687, %dma_start3A_692] : memref<16384x128xf32, #tpu.memory_space<hbm>> -> memref<128x128xf32, #tpu.memory_space<hbm>>
    %dma_start3A_694 = arith.constant 0 : i32
    %dma_start3A_695 = tpu.memref_slice %arg6[%mul3A_687, %dma_start3A_694] : memref<16384x128xf32, #tpu.memory_space<hbm>> -> memref<128x128xf32, #tpu.memory_space<hbm>>
    tpu.enqueue_dma source(%arg13 : memref<128x128xf32, #tpu.memory_space<vmem>>) target(%dma_start3A_695 : memref<128x128xf32, #tpu.memory_space<hbm>>) target_semaphore(%arg19 : memref<!tpu.dma_semaphore, #tpu.memory_space<semaphore_mem>>)
    %dma_wait3A_696 = arith.constant 0 : i32
    %dma_wait3A_697 = arith.constant 0 : i32
    %dma_wait3A_698 = tpu.memref_slice %arg4[%dma_wait3A_696, %dma_wait3A_697] : memref<100000x128xf32, #tpu.memory_space<hbm>> -> memref<100000x128xf32, #tpu.memory_space<hbm>>
    tpu.wait_indirect_dma semaphore(%arg16 : memref<!tpu.dma_semaphore, #tpu.memory_space<semaphore_mem>>) src(%dma_wait3A_698 : memref<100000x128xf32, #tpu.memory_space<hbm>>) dst(%arg12 : memref<128x128xf32, #tpu.memory_space<vmem>>)
    %dma_wait3A_699 = arith.constant 0 : i32
    %dma_wait3A_700 = arith.constant 0 : i32
    %dma_wait3A_701 = tpu.memref_slice %arg10[%dma_wait3A_699, %dma_wait3A_700] : memref<10x128xi32, #tpu.memory_space<vmem>> -> memref<1x128xi32, #tpu.memory_space<vmem>>
    %dma_wait3A_702 = tpu.memref_squeeze %dma_wait3A_701 : memref<1x128xi32, #tpu.memory_space<vmem>> -> memref<128xi32, #tpu.memory_space<vmem>>
    %dma_wait3A_703 = arith.constant 0 : i32
    %dma_wait3A_704 = arith.constant 0 : i32
    %dma_wait3A_705 = tpu.memref_slice %arg4[%dma_wait3A_703, %dma_wait3A_704] : memref<100000x128xf32, #tpu.memory_space<hbm>> -> memref<100000x128xf32, #tpu.memory_space<hbm>>
    tpu.wait_indirect_dma semaphore(%arg16 : memref<!tpu.dma_semaphore, #tpu.memory_space<semaphore_mem>>) src(%dma_wait3A_705 : memref<100000x128xf32, #tpu.memory_space<hbm>>) dst(%arg14 : memref<128x128xf32, #tpu.memory_space<vmem>>)
    %dma_wait3A_706 = arith.constant 1 : i32
    %dma_wait3A_707 = arith.constant 0 : i32
    %dma_wait3A_708 = tpu.memref_slice %arg10[%dma_wait3A_706, %dma_wait3A_707] : memref<10x128xi32, #tpu.memory_space<vmem>> -> memref<1x128xi32, #tpu.memory_space<vmem>>
    %dma_wait3A_709 = tpu.memref_squeeze %dma_wait3A_708 : memref<1x128xi32, #tpu.memory_space<vmem>> -> memref<128xi32, #tpu.memory_space<vmem>>
    %dma_wait3A_710 = arith.constant 0 : i32
    %dma_wait3A_711 = arith.constant 0 : i32
    %dma_wait3A_712 = tpu.memref_slice %arg4[%dma_wait3A_710, %dma_wait3A_711] : memref<100000x128xf32, #tpu.memory_space<hbm>> -> memref<100000x128xf32, #tpu.memory_space<hbm>>
    tpu.wait_indirect_dma semaphore(%arg16 : memref<!tpu.dma_semaphore, #tpu.memory_space<semaphore_mem>>) src(%dma_wait3A_712 : memref<100000x128xf32, #tpu.memory_space<hbm>>) dst(%arg14 : memref<128x128xf32, #tpu.memory_space<vmem>>)
    %dma_wait3A_713 = arith.constant 2 : i32
    %dma_wait3A_714 = arith.constant 0 : i32
    %dma_wait3A_715 = tpu.memref_slice %arg10[%dma_wait3A_713, %dma_wait3A_714] : memref<10x128xi32, #tpu.memory_space<vmem>> -> memref<1x128xi32, #tpu.memory_space<vmem>>
    %dma_wait3A_716 = tpu.memref_squeeze %dma_wait3A_715 : memref<1x128xi32, #tpu.memory_space<vmem>> -> memref<128xi32, #tpu.memory_space<vmem>>
    %dma_wait3A_717 = arith.constant 0 : i32
    %dma_wait3A_718 = arith.constant 0 : i32
    %dma_wait3A_719 = tpu.memref_slice %arg4[%dma_wait3A_717, %dma_wait3A_718] : memref<100000x128xf32, #tpu.memory_space<hbm>> -> memref<100000x128xf32, #tpu.memory_space<hbm>>
    tpu.wait_indirect_dma semaphore(%arg16 : memref<!tpu.dma_semaphore, #tpu.memory_space<semaphore_mem>>) src(%dma_wait3A_719 : memref<100000x128xf32, #tpu.memory_space<hbm>>) dst(%arg14 : memref<128x128xf32, #tpu.memory_space<vmem>>)
    %dma_wait3A_720 = arith.constant 3 : i32
    %dma_wait3A_721 = arith.constant 0 : i32
    %dma_wait3A_722 = tpu.memref_slice %arg10[%dma_wait3A_720, %dma_wait3A_721] : memref<10x128xi32, #tpu.memory_space<vmem>> -> memref<1x128xi32, #tpu.memory_space<vmem>>
    %dma_wait3A_723 = tpu.memref_squeeze %dma_wait3A_722 : memref<1x128xi32, #tpu.memory_space<vmem>> -> memref<128xi32, #tpu.memory_space<vmem>>
    %dma_wait3A_724 = arith.constant 0 : i32
    %dma_wait3A_725 = arith.constant 0 : i32
    %dma_wait3A_726 = tpu.memref_slice %arg4[%dma_wait3A_724, %dma_wait3A_725] : memref<100000x128xf32, #tpu.memory_space<hbm>> -> memref<100000x128xf32, #tpu.memory_space<hbm>>
    tpu.wait_indirect_dma semaphore(%arg16 : memref<!tpu.dma_semaphore, #tpu.memory_space<semaphore_mem>>) src(%dma_wait3A_726 : memref<100000x128xf32, #tpu.memory_space<hbm>>) dst(%arg14 : memref<128x128xf32, #tpu.memory_space<vmem>>)
    %dma_wait3A_727 = arith.constant 4 : i32
    %dma_wait3A_728 = arith.constant 0 : i32
    %dma_wait3A_729 = tpu.memref_slice %arg10[%dma_wait3A_727, %dma_wait3A_728] : memref<10x128xi32, #tpu.memory_space<vmem>> -> memref<1x128xi32, #tpu.memory_space<vmem>>
    %dma_wait3A_730 = tpu.memref_squeeze %dma_wait3A_729 : memref<1x128xi32, #tpu.memory_space<vmem>> -> memref<128xi32, #tpu.memory_space<vmem>>
    %dma_wait3A_731 = arith.constant 0 : i32
    %dma_wait3A_732 = arith.constant 0 : i32
    %dma_wait3A_733 = tpu.memref_slice %arg4[%dma_wait3A_731, %dma_wait3A_732] : memref<100000x128xf32, #tpu.memory_space<hbm>> -> memref<100000x128xf32, #tpu.memory_space<hbm>>
    tpu.wait_indirect_dma semaphore(%arg16 : memref<!tpu.dma_semaphore, #tpu.memory_space<semaphore_mem>>) src(%dma_wait3A_733 : memref<100000x128xf32, #tpu.memory_space<hbm>>) dst(%arg14 : memref<128x128xf32, #tpu.memory_space<vmem>>)
    %dma_wait3A_734 = arith.constant 5 : i32
    %dma_wait3A_735 = arith.constant 0 : i32
    %dma_wait3A_736 = tpu.memref_slice %arg10[%dma_wait3A_734, %dma_wait3A_735] : memref<10x128xi32, #tpu.memory_space<vmem>> -> memref<1x128xi32, #tpu.memory_space<vmem>>
    %dma_wait3A_737 = tpu.memref_squeeze %dma_wait3A_736 : memref<1x128xi32, #tpu.memory_space<vmem>> -> memref<128xi32, #tpu.memory_space<vmem>>
    %dma_wait3A_738 = arith.constant 0 : i32
    %dma_wait3A_739 = arith.constant 0 : i32
    %dma_wait3A_740 = tpu.memref_slice %arg4[%dma_wait3A_738, %dma_wait3A_739] : memref<100000x128xf32, #tpu.memory_space<hbm>> -> memref<100000x128xf32, #tpu.memory_space<hbm>>
    tpu.wait_indirect_dma semaphore(%arg16 : memref<!tpu.dma_semaphore, #tpu.memory_space<semaphore_mem>>) src(%dma_wait3A_740 : memref<100000x128xf32, #tpu.memory_space<hbm>>) dst(%arg14 : memref<128x128xf32, #tpu.memory_space<vmem>>)
    %dma_wait3A_741 = arith.constant 6 : i32
    %dma_wait3A_742 = arith.constant 0 : i32
    %dma_wait3A_743 = tpu.memref_slice %arg10[%dma_wait3A_741, %dma_wait3A_742] : memref<10x128xi32, #tpu.memory_space<vmem>> -> memref<1x128xi32, #tpu.memory_space<vmem>>
    %dma_wait3A_744 = tpu.memref_squeeze %dma_wait3A_743 : memref<1x128xi32, #tpu.memory_space<vmem>> -> memref<128xi32, #tpu.memory_space<vmem>>
    %dma_wait3A_745 = arith.constant 0 : i32
    %dma_wait3A_746 = arith.constant 0 : i32
    %dma_wait3A_747 = tpu.memref_slice %arg4[%dma_wait3A_745, %dma_wait3A_746] : memref<100000x128xf32, #tpu.memory_space<hbm>> -> memref<100000x128xf32, #tpu.memory_space<hbm>>
    tpu.wait_indirect_dma semaphore(%arg16 : memref<!tpu.dma_semaphore, #tpu.memory_space<semaphore_mem>>) src(%dma_wait3A_747 : memref<100000x128xf32, #tpu.memory_space<hbm>>) dst(%arg14 : memref<128x128xf32, #tpu.memory_space<vmem>>)
    %dma_wait3A_748 = arith.constant 7 : i32
    %dma_wait3A_749 = arith.constant 0 : i32
    %dma_wait3A_750 = tpu.memref_slice %arg10[%dma_wait3A_748, %dma_wait3A_749] : memref<10x128xi32, #tpu.memory_space<vmem>> -> memref<1x128xi32, #tpu.memory_space<vmem>>
    %dma_wait3A_751 = tpu.memref_squeeze %dma_wait3A_750 : memref<1x128xi32, #tpu.memory_space<vmem>> -> memref<128xi32, #tpu.memory_space<vmem>>
    %dma_wait3A_752 = arith.constant 0 : i32
    %dma_wait3A_753 = arith.constant 0 : i32
    %dma_wait3A_754 = tpu.memref_slice %arg4[%dma_wait3A_752, %dma_wait3A_753] : memref<100000x128xf32, #tpu.memory_space<hbm>> -> memref<100000x128xf32, #tpu.memory_space<hbm>>
    tpu.wait_indirect_dma semaphore(%arg16 : memref<!tpu.dma_semaphore, #tpu.memory_space<semaphore_mem>>) src(%dma_wait3A_754 : memref<100000x128xf32, #tpu.memory_space<hbm>>) dst(%arg14 : memref<128x128xf32, #tpu.memory_space<vmem>>)
    %dma_wait3A_755 = arith.constant 8 : i32
    %dma_wait3A_756 = arith.constant 0 : i32
    %dma_wait3A_757 = tpu.memref_slice %arg10[%dma_wait3A_755, %dma_wait3A_756] : memref<10x128xi32, #tpu.memory_space<vmem>> -> memref<1x128xi32, #tpu.memory_space<vmem>>
    %dma_wait3A_758 = tpu.memref_squeeze %dma_wait3A_757 : memref<1x128xi32, #tpu.memory_space<vmem>> -> memref<128xi32, #tpu.memory_space<vmem>>
    %dma_wait3A_759 = arith.constant 0 : i32
    %dma_wait3A_760 = arith.constant 0 : i32
    %dma_wait3A_761 = tpu.memref_slice %arg4[%dma_wait3A_759, %dma_wait3A_760] : memref<100000x128xf32, #tpu.memory_space<hbm>> -> memref<100000x128xf32, #tpu.memory_space<hbm>>
    tpu.wait_indirect_dma semaphore(%arg16 : memref<!tpu.dma_semaphore, #tpu.memory_space<semaphore_mem>>) src(%dma_wait3A_761 : memref<100000x128xf32, #tpu.memory_space<hbm>>) dst(%arg14 : memref<128x128xf32, #tpu.memory_space<vmem>>)
    %dma_wait3A_762 = arith.constant 9 : i32
    %dma_wait3A_763 = arith.constant 0 : i32
    %dma_wait3A_764 = tpu.memref_slice %arg10[%dma_wait3A_762, %dma_wait3A_763] : memref<10x128xi32, #tpu.memory_space<vmem>> -> memref<1x128xi32, #tpu.memory_space<vmem>>
    %dma_wait3A_765 = tpu.memref_squeeze %dma_wait3A_764 : memref<1x128xi32, #tpu.memory_space<vmem>> -> memref<128xi32, #tpu.memory_space<vmem>>
    %dma_wait3A_766 = arith.constant 0 : i32
    %dma_wait3A_767 = arith.constant 0 : i32
    %dma_wait3A_768 = tpu.memref_slice %arg4[%dma_wait3A_766, %dma_wait3A_767] : memref<100000x128xf32, #tpu.memory_space<hbm>> -> memref<100000x128xf32, #tpu.memory_space<hbm>>
    tpu.wait_indirect_dma semaphore(%arg16 : memref<!tpu.dma_semaphore, #tpu.memory_space<semaphore_mem>>) src(%dma_wait3A_768 : memref<100000x128xf32, #tpu.memory_space<hbm>>) dst(%arg14 : memref<128x128xf32, #tpu.memory_space<vmem>>)
    %mul3A_769 = arith.constant 4 : i32
    %mul3A_770 = arith.muli %add3A, %mul3A_769 : i32
    %add3A_771 = arith.constant 3 : i32
    %add3A_772 = arith.addi %mul3A_770, %add3A_771 : i32
    %mul3A_773 = arith.constant 128 : i32
    %mul3A_774 = arith.muli %add3A_772, %mul3A_773 : i32
    %dma_start3A_775 = arith.constant 0 : i32
    %dma_start3A_776 = tpu.memref_slice %arg5[%mul3A_774, %dma_start3A_775] : memref<16384x128xf32, #tpu.memory_space<hbm>> -> memref<128x128xf32, #tpu.memory_space<hbm>>
    %dma_start3A_777 = arith.constant 0 : i32
    %dma_start3A_778 = tpu.memref_slice %arg5[%mul3A_774, %dma_start3A_777] : memref<16384x128xf32, #tpu.memory_space<hbm>> -> memref<128x128xf32, #tpu.memory_space<hbm>>
    tpu.enqueue_dma source(%arg12 : memref<128x128xf32, #tpu.memory_space<vmem>>) target(%dma_start3A_778 : memref<128x128xf32, #tpu.memory_space<hbm>>) target_semaphore(%arg18 : memref<!tpu.dma_semaphore, #tpu.memory_space<semaphore_mem>>)
    %dma_start3A_779 = arith.constant 0 : i32
    %dma_start3A_780 = tpu.memref_slice %arg6[%mul3A_774, %dma_start3A_779] : memref<16384x128xf32, #tpu.memory_space<hbm>> -> memref<128x128xf32, #tpu.memory_space<hbm>>
    %dma_start3A_781 = arith.constant 0 : i32
    %dma_start3A_782 = tpu.memref_slice %arg6[%mul3A_774, %dma_start3A_781] : memref<16384x128xf32, #tpu.memory_space<hbm>> -> memref<128x128xf32, #tpu.memory_space<hbm>>
    tpu.enqueue_dma source(%arg14 : memref<128x128xf32, #tpu.memory_space<vmem>>) target(%dma_start3A_782 : memref<128x128xf32, #tpu.memory_space<hbm>>) target_semaphore(%arg20 : memref<!tpu.dma_semaphore, #tpu.memory_space<semaphore_mem>>)
    %dma_wait3A_783 = arith.constant 0 : i32
    %dma_wait3A_784 = tpu.memref_slice %arg5[%mul3A_687, %dma_wait3A_783] : memref<16384x128xf32, #tpu.memory_space<hbm>> -> memref<128x128xf32, #tpu.memory_space<hbm>>
    %dma_wait3A_785 = arith.constant 0 : i32
    %dma_wait3A_786 = tpu.memref_slice %arg5[%mul3A_687, %dma_wait3A_785] : memref<16384x128xf32, #tpu.memory_space<hbm>> -> memref<128x128xf32, #tpu.memory_space<hbm>>
    tpu.wait_dma2 semaphore(%arg17 : memref<!tpu.dma_semaphore, #tpu.memory_space<semaphore_mem>>) src(%arg11 : memref<128x128xf32, #tpu.memory_space<vmem>>) dst(%dma_wait3A_786 : memref<128x128xf32, #tpu.memory_space<hbm>>)
    %dma_wait3A_787 = arith.constant 0 : i32
    %dma_wait3A_788 = tpu.memref_slice %arg6[%mul3A_687, %dma_wait3A_787] : memref<16384x128xf32, #tpu.memory_space<hbm>> -> memref<128x128xf32, #tpu.memory_space<hbm>>
    %dma_wait3A_789 = arith.constant 0 : i32
    %dma_wait3A_790 = tpu.memref_slice %arg6[%mul3A_687, %dma_wait3A_789] : memref<16384x128xf32, #tpu.memory_space<hbm>> -> memref<128x128xf32, #tpu.memory_space<hbm>>
    tpu.wait_dma2 semaphore(%arg19 : memref<!tpu.dma_semaphore, #tpu.memory_space<semaphore_mem>>) src(%arg13 : memref<128x128xf32, #tpu.memory_space<vmem>>) dst(%dma_wait3A_790 : memref<128x128xf32, #tpu.memory_space<hbm>>)
    %dma_wait3A_791 = arith.constant 0 : i32
    %dma_wait3A_792 = tpu.memref_slice %arg5[%mul3A_774, %dma_wait3A_791] : memref<16384x128xf32, #tpu.memory_space<hbm>> -> memref<128x128xf32, #tpu.memory_space<hbm>>
    %dma_wait3A_793 = arith.constant 0 : i32
    %dma_wait3A_794 = tpu.memref_slice %arg5[%mul3A_774, %dma_wait3A_793] : memref<16384x128xf32, #tpu.memory_space<hbm>> -> memref<128x128xf32, #tpu.memory_space<hbm>>
    tpu.wait_dma2 semaphore(%arg18 : memref<!tpu.dma_semaphore, #tpu.memory_space<semaphore_mem>>) src(%arg12 : memref<128x128xf32, #tpu.memory_space<vmem>>) dst(%dma_wait3A_794 : memref<128x128xf32, #tpu.memory_space<hbm>>)
    %dma_wait3A_795 = arith.constant 0 : i32
    %dma_wait3A_796 = tpu.memref_slice %arg6[%mul3A_774, %dma_wait3A_795] : memref<16384x128xf32, #tpu.memory_space<hbm>> -> memref<128x128xf32, #tpu.memory_space<hbm>>
    %dma_wait3A_797 = arith.constant 0 : i32
    %dma_wait3A_798 = tpu.memref_slice %arg6[%mul3A_774, %dma_wait3A_797] : memref<16384x128xf32, #tpu.memory_space<hbm>> -> memref<128x128xf32, #tpu.memory_space<hbm>>
    tpu.wait_dma2 semaphore(%arg20 : memref<!tpu.dma_semaphore, #tpu.memory_space<semaphore_mem>>) src(%arg14 : memref<128x128xf32, #tpu.memory_space<vmem>>) dst(%dma_wait3A_798 : memref<128x128xf32, #tpu.memory_space<hbm>>)
    return
  }
}

module attributes {stable_mosaic.version = 14 : i64} {
  func.func @_tc_body(%arg0: i32, %arg1: memref<8192x128xf32, #tpu.memory_space<vmem>>, %arg2: memref<8192x128xf32, #tpu.memory_space<vmem>>, %arg3: memref<128x128xf32, #tpu.memory_space<vmem>>, %arg4: memref<128x128xf32, #tpu.memory_space<vmem>>, %arg5: memref<128x8192xf32, #tpu.memory_space<vmem>>) attributes {dimension_semantics = [#tpu.dimension_semantics<arbitrary>], iteration_bounds = array<i64: 2>, scalar_prefetch = 0 : i64, scratch_operands = 0 : i64, tpu.core_type = #tpu.core_type<tc>, window_params = [{transform_indices = @transform_0, window_bounds = array<i64: 8192, 128>}, {transform_indices = @transform_1, window_bounds = array<i64: 8192, 128>}, {pipeline_mode = #tpu.pipeline_mode<synchronous>, transform_indices = @transform_2, window_bounds = array<i64: 128, 128>}, {pipeline_mode = #tpu.pipeline_mode<synchronous>, transform_indices = @transform_3, window_bounds = array<i64: 128, 128>}, {transform_indices = @transform_4, window_bounds = array<i64: 128, 8192>}]} {
    %get3A = arith.constant 0 : index
    %get3A_0 = arith.constant 0 : index
    %get3A_1 = vector.load %arg3[%get3A, %get3A_0] : memref<128x128xf32, #tpu.memory_space<vmem>>, vector<128x128xf32>
    %get3A_2 = arith.constant 0 : index
    %get3A_3 = arith.constant 0 : index
    %get3A_4 = vector.load %arg1[%get3A_2, %get3A_3] : memref<8192x128xf32, #tpu.memory_space<vmem>>, vector<8192x128xf32>
    %dot_general3A = arith.constant dense<0.000000e+00> : vector<128x8192xf32>
    %dot_general3A_5 = tpu.matmul %get3A_1, %get3A_4, %dot_general3A {dimension_numbers = #tpu.dot_dimension_numbers<[1], [1], [0], [0], [0, 0, 1, 0], [], []>, transpose_lhs_hint = false} : vector<128x128xf32>, vector<8192x128xf32>, vector<128x8192xf32> -> vector<128x8192xf32>
    %get3A_6 = arith.constant 0 : index
    %get3A_7 = arith.constant 0 : index
    %get3A_8 = vector.load %arg4[%get3A_6, %get3A_7] : memref<128x128xf32, #tpu.memory_space<vmem>>, vector<128x128xf32>
    %get3A_9 = arith.constant 0 : index
    %get3A_10 = arith.constant 0 : index
    %get3A_11 = vector.load %arg2[%get3A_9, %get3A_10] : memref<8192x128xf32, #tpu.memory_space<vmem>>, vector<8192x128xf32>
    %dot_general3A_12 = arith.constant dense<0.000000e+00> : vector<128x8192xf32>
    %dot_general3A_13 = tpu.matmul %get3A_8, %get3A_11, %dot_general3A_12 {dimension_numbers = #tpu.dot_dimension_numbers<[1], [1], [0], [0], [0, 0, 1, 0], [], []>, transpose_lhs_hint = false} : vector<128x128xf32>, vector<8192x128xf32>, vector<128x8192xf32> -> vector<128x8192xf32>
    %add3A = arith.addf %dot_general3A_5, %dot_general3A_13 : vector<128x8192xf32>
    %max3A = arith.constant 0.000000e+00 : f32
    %max3A_14 = vector.broadcast %max3A : f32 to vector<128x8192xf32>
    %max3A_15 = arith.maximumf %add3A, %max3A_14 : vector<128x8192xf32>
    %swap3A = arith.constant 0 : index
    %swap3A_16 = arith.constant 0 : index
    %swap3A_17 = vector.load %arg5[%swap3A, %swap3A_16] : memref<128x8192xf32, #tpu.memory_space<vmem>>, vector<128x8192xf32>
    tpu.vector_store %arg5[%swap3A, %swap3A_16], %max3A_15 {strides = array<i32>} : memref<128x8192xf32, #tpu.memory_space<vmem>>, vector<128x8192xf32>,
    return
  }
  func.func @transform_0(%arg0: i32) -> (i32, i32) {
    %c0_i32 = arith.constant 0 : i32
    %c0_i32_0 = arith.constant 0 : i32
    return %arg0, %c0_i32 : i32, i32
  }
  func.func @transform_1(%arg0: i32) -> (i32, i32) {
    %c0_i32 = arith.constant 0 : i32
    %c0_i32_0 = arith.constant 0 : i32
    return %arg0, %c0_i32 : i32, i32
  }
  func.func @transform_2(%arg0: i32) -> (i32, i32) {
    %c0_i32 = arith.constant 0 : i32
    %c0_i32_0 = arith.constant 0 : i32
    %c0_i32_1 = arith.constant 0 : i32
    return %c0_i32, %c0_i32_0 : i32, i32
  }
  func.func @transform_3(%arg0: i32) -> (i32, i32) {
    %c0_i32 = arith.constant 0 : i32
    %c0_i32_0 = arith.constant 0 : i32
    %c0_i32_1 = arith.constant 0 : i32
    return %c0_i32, %c0_i32_0 : i32, i32
  }
  func.func @transform_4(%arg0: i32) -> (i32, i32) {
    %c0_i32 = arith.constant 0 : i32
    %c0_i32_0 = arith.constant 0 : i32
    return %c0_i32, %arg0 : i32, i32
  }
}

</mosaic_0001>

<sc_bundles>
// kernel: kernel.4.cloned.1.call-start
scs
__scs_entry_jumppad:
0x0: {  	(pc) =	sbr.rel $0x88, $3  }
0x1: {  	(tag) =	ssettag $0x0;
	lr =	simm.s32 $0x1  }
0x2: {  	[smem:$0x3F9D] =	sst lr;
	_ =	strace $0xD0000000  }
0x3: {  	_ = 	snop  }
0x4: {  	_ = 	snop  }
0x5: {  	_ = 	snop  }
0x6: {  	_ = 	snop  }
0x7: {  	_ = 	snop  }
__scs_overlays_trampoline_lowered:
0x8: {  	[smem:$0x3FAC] =	sst s0  }
0x9: {  	[smem:$0x3FAD] =	sst s1  }
0xa: {  	[smem:$0x3FAE] =	sst s2  }
0xb: {  	[smem:$0x3FAF] =	sst s3  }
0xc: {  	[smem:$0x3FB0] =	sst s4  }
0xd: {  	[smem:$0x3FB1] =	sst s5  }
0xe: {  	[smem:$0x3FB2] =	sst s6  }
0xf: {  	[smem:$0x3FB3] =	sst s7  }
0x10: {  	[smem:$0x3FB4] =	sst s8  }
0x11: {  	[smem:$0x3FB5] =	sst s9;
	s0 =	simm.s32 @!p0 $0x0  }
0x12: {  	s1 =	sld [smem:$0x3F9B];
	s0 =	simm.s32 @p0 $0x1  }
0x13: {  	[smem:$0x3FB6] =	sst s0;
	s0 =	simm.s32 @!p1 $0x0  }
0x14: {  	s2 =	sld [smem:$0x3F9A];
	s0 =	simm.s32 @p1 $0x1  }
0x15: {  	[smem:$0x3FB7] =	sst s0;
	s0 =	simm.s32 @!p2 $0x0  }
0x16: {  	s3 =	sld [smem:$0x3FDB];
	s0 =	simm.s32 @p2 $0x1  }
0x17: {  	s4 =	simm.s32 $0x1BF5;
	[smem:$0x3FB9] =	sst s0  }
0x18: {  	s0 =	sld [smem:$0x3F9C];
	_ =	swait.ge [sflag:s4], $0x0  }
0x19: {  	s7 =	sld [smem:$0x3F9D]  }
0x1a: {  	s8 =	sadd.s32 $0xFFFFE003, lr  }
0x1b: {  	s9 =	sadd.s32 $0xFFFFFEF7, lr;
	s5 =	simm.s32 $0xFFFFFFFF;
	p2 =	slt.u32 s8, $0xFFFFF086  }
0x1c: {  	p1 =	slt.u32 s9, $0xF7A;
	s5 =	simm.s32 @!p2 $0x0  }
0x1d: {  	s5 =	simm.s32 @p1 $0x1;
	p0 =	seq.s32 s7, s2  }
0x1e: {  	s7 =	smul.u32 @!p0 $0xF7A, s2;
	p2 =	seq.s32 @!p0 s5, $0x0  }
0x1f: {  	s9 =	smul.u32 $0xF7A, s1;
	s8 =	simm.s32 @!p0 $0x1BF5;
	p2 =	por !p2, p0  }
0x20: {  	[sflag:s8] =	ssyncset.s32 @!p0 $0xFFFFF086;
	s6 =	sadd.s32 @!p0 s3, s7;
	s7 =	simm.s32 @!p0 $0x108  }
0x21: {  	s3 =	sadd.s32 s3, s9;
	s6 =	sadd.s32 @!p0 $0x88, s6;
	s7 =	simm.s32 @p2 $0x1082  }
0x22: {  	[simem:s7], [sflag:s8] =	dma.local @!p0 [hbm:s6], $0xF7A  }
0x23: {  	s9 =	sor.u32 $0xD0000000, s2;
	s6 =	simm.s32 $0x108;
	_ =	swait.ge @!p0 [sflag:s8], $0x0  }
0x24: {  	s3 =	sadd.s32 $0x88, s3;
	s6 =	simm.s32 @!p1 $0x1082;
	[sflag:s4] =	ssyncset.s32 $0xFFFFF086  }
0x25: {  	[simem:s6], [sflag:s4] =	dma.local [hbm:s3], $0xF7A  }
0x26: {  	[smem:$0x3F9D] =	sst s1;
	(tag) =	ssettag s2;
	_ =	strace s9  }
0x27: {  	s1 =	sld [smem:$0x3FAD]  }
0x28: {  	s2 =	sld [smem:$0x3FAE]  }
0x29: {  	s4 =	sld [smem:$0x3FB0]  }
0x2a: {  	p0 =	seq.s32 s5, $0x0;
	s5 =	sld [smem:$0x3FB1]  }
0x2b: {  	s6 =	sld [smem:$0x3FB2]  }
0x2c: {  	s7 =	sld [smem:$0x3FB3]  }
0x2d: {  	s3 =	simm.s32 $0x108;
	s8 =	sld [smem:$0x3FB4]  }
0x2e: {  	s3 =	simm.s32 @!p0 $0x1082;
	s9 =	sld [smem:$0x3FB5]  }
0x2f: {  	lr =	sadd.s32 s0, s3;
	s0 =	sld [smem:$0x3FAC]  }
0x30: {  	s3 =	sld [smem:$0x3FAF]  }
0x31: {  	[smem:$0x3FB8] =	sst s10  }
0x32: {  	s10 =	sld [smem:$0x3FB6];
	_ =	sdelay $0x3  }
0x33: {  	p0 =	seq.s32 s10, $0x1;
	s10 =	sld [smem:$0x3FB8];
	_ =	sdelay $0x3  }
0x34: {  	[smem:$0x3FB8] =	sst s10  }
0x35: {  	s10 =	sld [smem:$0x3FB7];
	_ =	sdelay $0x3  }
0x36: {  	p1 =	seq.s32 s10, $0x1;
	s10 =	sld [smem:$0x3FB8];
	_ =	sdelay $0x3  }
0x37: {  	[smem:$0x3FB8] =	sst s10  }
0x38: {  	s10 =	sld [smem:$0x3FB9]  }
0x39: {  	_ = 	snop;
	(pc) =	sbr.ind lr, $3  }
0x3a: {  	_ = 	snop  }
0x3b: {  	_ = 	snop  }
0x3c: {  	p2 =	seq.s32 s10, $0x1;
	s10 =	sld [smem:$0x3FB8]  }
0x3d: {  	_ =	shalt  }
0x3e: {  	_ =	shalt  }
0x3f: {  	_ =	shalt  }
0x40: {  	_ =	shalt  }
0x41: {  	_ =	shalt  }
0x42: {  	_ =	shalt  }
0x43: {  	_ =	shalt  }
0x44: {  	_ =	shalt  }
0x45: {  	_ =	shalt  }
0x46: {  	_ =	shalt  }
0x47: {  	_ =	shalt  }
0x48: {  	_ =	shalt  }
0x49: {  	_ =	shalt  }
0x4a: {  	_ =	shalt  }
0x4b: {  	_ =	shalt  }
0x4c: {  	_ =	shalt  }
0x4d: {  	_ =	shalt  }
0x4e: {  	_ =	shalt  }
0x4f: {  	_ =	shalt  }
0x50: {  	_ =	shalt  }
0x51: {  	_ =	shalt  }
0x52: {  	_ =	shalt  }
0x53: {  	_ =	shalt  }
0x54: {  	_ =	shalt  }
0x55: {  	_ =	shalt  }
0x56: {  	_ =	shalt  }
0x57: {  	_ =	shalt  }
0x58: {  	_ =	shalt  }
0x59: {  	_ =	shalt  }
0x5a: {  	_ =	shalt  }
0x5b: {  	_ =	shalt  }
0x5c: {  	_ =	shalt  }
0x5d: {  	_ =	shalt  }
0x5e: {  	_ =	shalt  }
0x5f: {  	_ =	shalt  }
0x60: {  	_ =	shalt  }
0x61: {  	_ =	shalt  }
0x62: {  	_ =	shalt  }
0x63: {  	_ =	shalt  }
0x64: {  	_ =	shalt  }
0x65: {  	_ =	shalt  }
0x66: {  	_ =	shalt  }
0x67: {  	_ =	shalt  }
0x68: {  	_ =	shalt  }
0x69: {  	_ =	shalt  }
0x6a: {  	_ =	shalt  }
0x6b: {  	_ =	shalt  }
0x6c: {  	_ =	shalt  }
0x6d: {  	_ =	shalt  }
0x6e: {  	_ =	shalt  }
0x6f: {  	_ =	shalt  }
0x70: {  	_ =	shalt  }
0x71: {  	_ =	shalt  }
0x72: {  	_ =	shalt  }
0x73: {  	_ =	shalt  }
0x74: {  	_ =	shalt  }
0x75: {  	_ =	shalt  }
0x76: {  	_ =	shalt  }
0x77: {  	_ =	shalt  }
0x78: {  	_ =	shalt  }
0x79: {  	_ =	shalt  }
0x7a: {  	_ =	shalt  }
0x7b: {  	_ =	shalt  }
0x7c: {  	_ =	shalt  }
0x7d: {  	_ =	shalt  }
0x7e: {  	_ =	shalt  }
0x7f: {  	_ =	shalt  }
0x80: {  	_ =	shalt  }
0x81: {  	_ =	shalt  }
0x82: {  	_ =	shalt  }
0x83: {  	_ =	shalt  }
0x84: {  	_ =	shalt  }
0x85: {  	_ =	shalt  }
0x86: {  	_ =	shalt  }
0x87: {  	_ =	shalt  }
.Lfunc_end0:
.L_simem_size_0:
called_computation_lowered:
.L_overlay_start_0:
0x88: {  	s2 =	sld [smem:$0x3FD9]  }
0x89: {  	s3 =	sld [smem:$0x3FFE];
	_ =	sdelay $0x1  }
0x8a: {  	s1 =	srdreg.scid  }
0x8b: {  	s0 =	sand.u32 $0x1, s1  }
0x8c: {  	s17 =	sshll.u32 s0, $0xA;
	s2 =	sadd.s32 s3, s2  }
0x8d: {  	s2 =	sadd.s32 s2, s17  }
0x8e: {  	[smem:$0x3FC4] =	sst s2  }
0x8f: {  	_ = 	snop  }
0x90: {  	s2 =	sld [smem:$0x3FC9]  }
0x91: {  	s18 =	sld [smem:$0x3FC7]  }
0x92: {  	s4 =	sld [smem:$0x3FD0];
	(tm) =	ssettm $0x1  }
0x93: {  	s5 =	sld [smem:$0x3FFB];
	_ =	sdelay $0x3  }
0x94: {  	_ =	strace s5  }
0x95: {  	s5 =	sld [smem:$0x3FFC];
	_ =	sdelay $0x3  }
0x96: {  	_ =	strace s5  }
0x97: {  	s5 =	sld [smem:$0x3FFD];
	_ =	sdelay $0x3  }
0x98: {  	_ =	strace s5  }
0x99: {  	_ =	strace $0x8FFFFFFF  }
0x9a: {  	s19 =	sld [smem:$0x3FDB];
	_ =	sdelay $0x1  }
0x9b: {  	s6 =	simm.s32 $_scs_section_size  }
0x9c: {  	s7 =	simm.s32 $_size__tile_overlayer_lowered;
	s8 =	simm.s32 $_tile_overlayer_lowered  }
0x9d: {  	s22 =	simm.s32 $0x1BFF;
	s21 =	sshll.u32 s8, $0x1;
	s5 =	sadd.s32 s6, s19  }
0x9e: {  	s9 =	simm.s32 $0x0;
	s20 =	sshll.u32 s7, $0x1;
	s7 =	sadd.s32 s21, s5  }
0x9f: {  	[timem:s9], [sflag:s22] =	dma.local [hbm:s7], s20  }
0xa0: {  	_ =	swait.ge [sflag:s22], s20  }
0xa1: {  	s6 =	ssub.s32 $0x0, s20;
	[sflag:s22] =	ssyncset.done $0x0  }
0xa2: {  	[sflag:s22] =	ssyncadd.s32 s6;
	_ =	sdelay $0x1  }
0xa3: {  	s23 =	simm.s32 $0x1B8B  }
0xa4: {  	_ =	swait.ge [sflag:s23], $0x1  }
0xa5: {  	[sflag:s23] =	ssyncset.done $0x0  }
0xa6: {  	s25 =	simm.s32 $0x1B8E;
	s24 =	sld [smem:$0x3FFE];
	[sflag:s23] =	ssyncadd.s32 $0xFFFFFFFF  }
0xa7: {  	s26 =	simm.s32 $execute0_lowered;
	[smem:$0x3FD2] =	sst s25  }
0xa8: {  	s7 =	sshll.u32 s26, $0x1;
	_ =	strace $0x80000046;
	[dreg:$0x1] =	wrdreg $0xFFFFFFFF  }
0xa9: {  	s28 =	simm.s32 $_size_execute0_lowered;
	s5 =	sadd.s32 s5, s7;
	[dreg:$0x0] =	wrdreg $0x0  }
0xaa: {  	s7 =	sshll.u32 s28, $0x1;
	[dreg:$0x2] =	wrdreg s5  }
0xab: {  	[dreg:$0x3] =	wrdreg s7  }
0xac: {  	[dreg:$0x4] =	wrdreg $0xC0  }
0xad: {  	_ =	task [dreg:s9], $0x5FFFF  }
0xae: {  	[dreg:$0x1] =	wrdreg $0xFFFFFFFF  }
0xaf: {  	[dreg:$0x0] =	wrdreg $0x60  }
0xb0: {  	[dreg:$0x2] =	wrdreg s2  }
0xb1: {  	[dreg:$0x3] =	wrdreg s24  }
0xb2: {  	[dreg:$0x4] =	wrdreg s18  }
0xb3: {  	[dreg:$0x5] =	wrdreg s4  }
0xb4: {  	[dreg:$0x6] =	wrdreg $0x9  }
0xb5: {  	_ =	task.clear_ibuf [dreg:s9], $0x7FFFF;
	_ =	strace $0x90000046  }
0xb6: {  	s29 =	simm.s32 $0x9;
	_ =	strace $0x80000048  }
0xb7: {  	_ =	swait.ge [sflag:s29], $0x1  }
0xb8: {  	[sflag:s29] =	ssyncadd.s32 $0xFFFFFFFF  }
0xb9: {  	_ =	strace $0x90000048  }
0xba: {  	_ =	sfence  }
0xbb: {  	s30 =	sld [smem:$0x0];
	_ =	sdelay $0x2  }
0xbc: {  	s31 =	sshll.u32 s1, $0xD;
	s1 =	sshrl.u32 s1, $0x2  }
0xbd: {  	s3 =	sand.u32 $0x4000, s31;
	s1 =	sadd.s32 s1, s30  }
0xbe: {  	s0 =	sor.u32 s3, s0;
	s1 =	sshll.u32 s1, $0x11  }
0xbf: {  	s0 =	sor.u32 s1, s0  }
0xc0: {  	s0 =	sadd.s32 $0x8F2B, s0  }
0xc1: {  	[sflag:s0] =	ssyncadd.remote.s32 $0x1  }
0xc2: {  	_ =	sfence.sel $0xFFFF  }
0xc3: {  	[dreg:$0x0] =	wrdreg $0xFFFFFFFF;
	(pc) =	sbr.abs _section_cstart, $3  }
0xc4: {  	[dreg:$0x1] =	wrdreg $0xFFFFFFFF  }
0xc5: {  	_ =	task.clear_ibuf [dreg:s9], $0x2FFFF;
	_ =	strace $0x9FFFFFFF  }
0xc6: {  	(tm) =	ssettm $0x7FFFFFFF  }
0xc7: {  	_ =	shalt  }
tec
execute0_lowered:
.L_overlay_start_1:
0x0: {  	(tag) =	ssettag $0x1  }
0x1: {  	s0 =	rddreg [dreg:$0x0]  }
0x2: {  	s2 =	rddreg [dreg:$0x1]  }
0x3: {  	s1 =	rddreg [dreg:$0x2]  }
0x4: {  	s4 =	rddreg [dreg:$0x3]  }
0x5: {  	s3 =	simm.s32 $0x0;
	s5 =	srdreg.scid;
	s7 =	stileid.u32  }
0x6: {  	s28 =	simm.s32 $0x2;
	s29 =	simm.s32 $0x4;
	s30 =	simm.s32 $0x6  }
0x7: {  	s31 =	simm.s32 $0x0;
	[smem:$0x7FF] =	sst s3;
	s5 =	sand.u32 $0x1, s5  }
0x8: {  	s7 =	sshll.u32 s7, $0x1;
	s8 =	sadd.s32 $0x1000, s2;
	s2 =	sadd.s32 $0x9000, s2  }
0x9: {  	_ =	strace $0x80000047;
	s6 =	ssub.s32 $0x2, s5;
	s5 =	sor.u32 s5, s7  }
0xa: {  	s9 =	sshrl.u32 s6, $0x1;
	s7 =	sshll.u32 s5, $0x2;
	s25 =	sshll.u32 s5, $0x6  }
0xb: {  	s10 =	sshll.u32 s5, $0xA;
	s16 =	sshll.u32 s5, $0xD;
	s5 =	sshllo.u32 s5, $0x2  }
0xc: {  	s6 =	ssub.s32 s6, s9;
	s11 =	sor.u32 $0x1, s7;
	s9 =	sadd.s32 s0, s25  }
0xd: {  	s26 =	sadd.s32 s8, s10;
	s7 =	sor.u32 $0x2, s7;
	s17 =	sadd.s32 s4, s16  }
0xe: {  	s18 =	sshll.u32 s5, $0x4;
	s19 =	sshll.u32 s5, $0x8;
	[dreg:$0x5] =	wrdreg s9  }
0xf: {  	s5 =	sshll.u32 s5, $0xB;
	[dreg:$0x6] =	wrdreg s26;
	s10 =	sshll.u32 s11, $0x4  }
0x10: {  	s12 =	sshll.u32 s11, $0x8;
	s13 =	sshll.u32 s7, $0x4;
	s14 =	sshll.u32 s7, $0x8  }
0x11: {  	[dreg:$0xb] =	wrdreg s17;
	s11 =	sshll.u32 s11, $0xB;
	s20 =	sadd.s32 s8, s19  }
0x12: {  	s23 =	sshll.u32 s7, $0xB;
	s24 =	sadd.s32 s4, s5;
	s25 =	sadd.s32 s2, s5  }
0x13: {  	s26 =	smax.u32 s6, $0x1;
	s5 =	simm.s32 $0x580;
	s6 =	simm.s32 $0x900  }
0x14: {  	s17 =	simm.s32 $0xD00;
	s19 =	simm.s32 $0x1;
	[dreg:$0xe] =	wrdreg s20  }
0x15: {  	s9 =	sadd.s32 s0, s10;
	s15 =	sadd.s32 s8, s14;
	[dreg:$0x13] =	wrdreg s24  }
0x16: {  	s21 =	sadd.s32 s4, s11;
	s22 =	sadd.s32 s2, s11;
	[dreg:$0x14] =	wrdreg s25  }
0x17: {  	s7 =	sadd.s32 s4, s23;
	[dreg:$0x15] =	wrdreg s26;
	s24 =	simm.s32 $0x1100  }
0x18: {  	s25 =	simm.s32 $0x9100;
	s4 =	simm.s32 $0x500;
	[dreg:$0x7] =	wrdreg s9  }
0x19: {  	s10 =	simm.s32 $0x980;
	s11 =	simm.s32 $0xA00;
	[dreg:$0xa] =	wrdreg s15  }
0x1a: {  	s14 =	simm.s32 $0xB80;
	s26 =	simm.s32 $0x3;
	[dreg:$0xf] =	wrdreg s21  }
0x1b: {  	s20 =	simm.s32 $0x5;
	s9 =	sadd.s32 s8, s12;
	[dreg:$0x10] =	wrdreg s22  }
0x1c: {  	[dreg:$0x11] =	wrdreg s7;
	s21 =	simm.s32 $0x100;
	s22 =	simm.s32 $0x7  }
0x1d: {  	s7 =	simm.s32 $0x8;
	s8 =	simm.s32 $0x5100;
	s12 =	simm.s32 $0xA80  }
0x1e: {  	s15 =	simm.s32 $0xC00;
	[dreg:$0x8] =	wrdreg s9;
	s9 =	sadd.s32 s0, s13  }
0x1f: {  	s0 =	sadd.s32 s0, s18;
	s13 =	simm.s32 $0xB00;
	[dreg:$0x9] =	wrdreg s9  }
0x20: {  	s18 =	simm.s32 $0xD80;
	s9 =	sadd.s32 s2, s16;
	[dreg:$0xd] =	wrdreg s0  }
0x21: {  	s0 =	sadd.s32 s2, s23;
	s23 =	simm.s32 $0x80;
	[dreg:$0xc] =	wrdreg s9  }
0x22: {  	v0 =	vimm.f32 $0.0e+00;
	s16 =	simm.s32 $0xC80;
	[dreg:$0x12] =	wrdreg s0;
	s9 =	simm.s32 $0xD100  }
.LBB2_1:
0x23: {  	s0 =	rddreg [dreg:$0x5]  }
0x24: {  	[tilespmem:s3], [sflag:$0x7] =	stream.linear.gather [hbm4b:s0+s3], $0x80, $0x38;
	[tilespmem:$0x11100] =	vst v63  }
0x25: {  	s2 =	rddreg [dreg:$0x6]  }
0x26: {  	[tilespmem:s21], [sflag:$0x7] =	stream.linear.gather [hbm4b:s2+s3], $0x500, $0x38;
	[tilespmem:$0x11100] =	vst v63  }
0x27: {  	_ =	swait.ge [sflag:s22], $0x80  }
0x28: {  	[sflag:s22] =	ssyncset.done $0x0  }
0x29: {  	[sflag:s22] =	ssyncadd.s32 $0xFFFFFF80  }
0x2a: {  	_ =	swait.ge [sflag:s22], $0x500  }
0x2b: {  	[sflag:s22] =	ssyncset.done $0x0  }
0x2c: {  	s0 =	simm.s32 $0x0;
	s2 =	simm.s32 $0x200;
	[sflag:s22] =	ssyncadd.s32 $0xFFFFFB00  }
.LBB2_2:
0x2d: {  	p0 =	sne.s32 s2, $0xFE00;
	[tilespmem:s0+$0x9170] =	vst v0  }
0x2e: {  	[tilespmem:s0+$0x9100] =	vst v0  }
0x2f: {  	[tilespmem:s0+$0x9110] =	vst v0  }
.Ltmp0:
0x30: {  	[tilespmem:s0+$0x9120] =	vst v0;
	(pc) =	sbr.rel @p0 .LBB2_2-.Ltmp0, $4  }
0x31: {  	[tilespmem:s0+$0x9130] =	vst v0  }
0x32: {  	[tilespmem:s0+$0x9140] =	vst v0  }
0x33: {  	[tilespmem:s0+$0x9150] =	vst v0  }
0x34: {  	[tilespmem:s0+$0x9160] =	vst v0;
	s0 =	sshra.s32 s2, $0x2;
	s2 =	sadd.s32 $0x200, s2  }
0x35: {  	[tilespmem:s0+$0x9170] =	vst v0  }
0x36: {  	[tilespmem:s0+$0x9100] =	vst v0  }
0x37: {  	[tilespmem:s0+$0x9110] =	vst v0  }
0x38: {  	[tilespmem:s0+$0x9120] =	vst v0  }
0x39: {  	[tilespmem:s0+$0x9130] =	vst v0  }
0x3a: {  	[tilespmem:s0+$0x9140] =	vst v0  }
0x3b: {  	[tilespmem:s0+$0x9150] =	vst v0  }
0x3c: {  	[tilespmem:s0+$0x9160] =	vst v0;
	s0 =	simm.s32 $0x0  }
0x3d: {  	[tilespmem:s24], [sflag:$0x1] =	stream.indirect.gather [hbm4b:s1+s23], $0x80, s0, s23, $0xb8;
	[tilespmem:$0x11100] =	vst v63  }
0x3e: {  	_ = 	snop  }
0x3f: {  	[tilespmem:s25], [sflag:$0x1] =	stream.indirect.gather.add.f32 [hbm:s1], $0x80, s21, s23, $0xb8;
	[tilespmem:$0x11100] =	vst v63  }
0x40: {  	s2 =	simm.s32 $0x180  }
0x41: {  	[tilespmem:s25], [sflag:$0x1] =	stream.indirect.gather.add.f32 [hbm:s1], $0x80, s2, s23, $0xb8;
	[tilespmem:$0x11100] =	vst v63  }
0x42: {  	s2 =	simm.s32 $0x200  }
0x43: {  	[tilespmem:s25], [sflag:$0x1] =	stream.indirect.gather.add.f32 [hbm:s1], $0x80, s2, s23, $0xb8;
	[tilespmem:$0x11100] =	vst v63  }
0x44: {  	s2 =	simm.s32 $0x280  }
0x45: {  	[tilespmem:s25], [sflag:$0x1] =	stream.indirect.gather.add.f32 [hbm:s1], $0x80, s2, s23, $0xb8;
	[tilespmem:$0x11100] =	vst v63  }
0x46: {  	s2 =	simm.s32 $0x300  }
0x47: {  	[tilespmem:s25], [sflag:$0x1] =	stream.indirect.gather.add.f32 [hbm:s1], $0x80, s2, s23, $0xb8;
	[tilespmem:$0x11100] =	vst v63  }
0x48: {  	s2 =	simm.s32 $0x380  }
0x49: {  	[tilespmem:s25], [sflag:$0x1] =	stream.indirect.gather.add.f32 [hbm:s1], $0x80, s2, s23, $0xb8;
	[tilespmem:$0x11100] =	vst v63  }
0x4a: {  	s2 =	simm.s32 $0x400  }
0x4b: {  	[tilespmem:s25], [sflag:$0x1] =	stream.indirect.gather.add.f32 [hbm:s1], $0x80, s2, s23, $0xb8;
	[tilespmem:$0x11100] =	vst v63  }
0x4c: {  	s2 =	simm.s32 $0x480  }
0x4d: {  	[tilespmem:s25], [sflag:$0x1] =	stream.indirect.gather.add.f32 [hbm:s1], $0x80, s2, s23, $0xb8;
	[tilespmem:$0x11100] =	vst v63  }
0x4e: {  	_ = 	snop  }
0x4f: {  	[tilespmem:s25], [sflag:$0x1] =	stream.indirect.gather.add.f32 [hbm:s1], $0x80, s4, s23, $0xb8;
	[tilespmem:$0x11100] =	vst v63  }
0x50: {  	_ = 	snop  }
0x51: {  	[tilespmem:s25], [sflag:$0x1] =	stream.indirect.gather.add.f32 [hbm:s1], $0x80, s5, s23, $0xb8;
	[tilespmem:$0x11100] =	vst v63  }
0x52: {  	s2 =	rddreg [dreg:$0x7]  }
0x53: {  	[tilespmem:s23], [sflag:$0x8] =	stream.linear.gather [hbm4b:s2+s0], $0x80, $0x38;
	[tilespmem:$0x11100] =	vst v63  }
0x54: {  	s2 =	rddreg [dreg:$0x8]  }
0x55: {  	[tilespmem:s6], [sflag:$0x8] =	stream.linear.gather [hbm4b:s2+s0], $0x500, $0x38;
	[tilespmem:$0x11100] =	vst v63  }
0x56: {  	s0 =	simm.s32 $0x0;
	s2 =	simm.s32 $0x200  }
.LBB2_4:
0x57: {  	p0 =	sne.s32 s2, $0xFE00;
	[tilespmem:s0+$0xD170] =	vst v0  }
0x58: {  	[tilespmem:s0+$0xD100] =	vst v0  }
0x59: {  	[tilespmem:s0+$0xD110] =	vst v0  }
.Ltmp1:
0x5a: {  	[tilespmem:s0+$0xD120] =	vst v0;
	(pc) =	sbr.rel @p0 .LBB2_4-.Ltmp1, $4  }
0x5b: {  	[tilespmem:s0+$0xD130] =	vst v0  }
0x5c: {  	[tilespmem:s0+$0xD140] =	vst v0  }
0x5d: {  	[tilespmem:s0+$0xD150] =	vst v0  }
0x5e: {  	[tilespmem:s0+$0xD160] =	vst v0;
	s0 =	sshra.s32 s2, $0x2;
	s2 =	sadd.s32 $0x200, s2  }
0x5f: {  	[tilespmem:s0+$0xD170] =	vst v0  }
0x60: {  	[tilespmem:s0+$0xD100] =	vst v0  }
0x61: {  	[tilespmem:s0+$0xD110] =	vst v0  }
0x62: {  	[tilespmem:s0+$0xD120] =	vst v0  }
0x63: {  	[tilespmem:s0+$0xD130] =	vst v0  }
0x64: {  	[tilespmem:s0+$0xD140] =	vst v0  }
0x65: {  	[tilespmem:s0+$0xD150] =	vst v0  }
0x66: {  	[tilespmem:s0+$0xD160] =	vst v0  }
0x67: {  	_ =	swait.ge [sflag:s7], $0x80  }
0x68: {  	[sflag:s7] =	ssyncset.done $0x0  }
0x69: {  	[sflag:s7] =	ssyncadd.s32 $0xFFFFFF80  }
0x6a: {  	_ =	swait.ge [sflag:s7], $0x500  }
0x6b: {  	[sflag:s7] =	ssyncset.done $0x0  }
0x6c: {  	[sflag:s7] =	ssyncadd.s32 $0xFFFFFB00  }
0x6d: {  	[tilespmem:s8], [sflag:$0x2] =	stream.indirect.gather [hbm4b:s1+s23], $0x80, s23, s23, $0xb8;
	[tilespmem:$0x11100] =	vst v63  }
0x6e: {  	_ = 	snop  }
0x6f: {  	[tilespmem:s9], [sflag:$0x2] =	stream.indirect.gather.add.f32 [hbm:s1], $0x80, s6, s23, $0xb8;
	[tilespmem:$0x11100] =	vst v63  }
0x70: {  	_ = 	snop  }
0x71: {  	[tilespmem:s9], [sflag:$0x2] =	stream.indirect.gather.add.f32 [hbm:s1], $0x80, s10, s23, $0xb8;
	[tilespmem:$0x11100] =	vst v63  }
0x72: {  	_ = 	snop  }
0x73: {  	[tilespmem:s9], [sflag:$0x2] =	stream.indirect.gather.add.f32 [hbm:s1], $0x80, s11, s23, $0xb8;
	[tilespmem:$0x11100] =	vst v63  }
0x74: {  	_ = 	snop  }
0x75: {  	[tilespmem:s9], [sflag:$0x2] =	stream.indirect.gather.add.f32 [hbm:s1], $0x80, s12, s23, $0xb8;
	[tilespmem:$0x11100] =	vst v63  }
0x76: {  	_ = 	snop  }
0x77: {  	[tilespmem:s9], [sflag:$0x2] =	stream.indirect.gather.add.f32 [hbm:s1], $0x80, s13, s23, $0xb8;
	[tilespmem:$0x11100] =	vst v63  }
0x78: {  	_ = 	snop  }
0x79: {  	[tilespmem:s9], [sflag:$0x2] =	stream.indirect.gather.add.f32 [hbm:s1], $0x80, s14, s23, $0xb8;
	[tilespmem:$0x11100] =	vst v63  }
0x7a: {  	_ = 	snop  }
0x7b: {  	[tilespmem:s9], [sflag:$0x2] =	stream.indirect.gather.add.f32 [hbm:s1], $0x80, s15, s23, $0xb8;
	[tilespmem:$0x11100] =	vst v63  }
0x7c: {  	_ = 	snop  }
0x7d: {  	[tilespmem:s9], [sflag:$0x2] =	stream.indirect.gather.add.f32 [hbm:s1], $0x80, s16, s23, $0xb8;
	[tilespmem:$0x11100] =	vst v63  }
0x7e: {  	_ = 	snop  }
0x7f: {  	[tilespmem:s9], [sflag:$0x2] =	stream.indirect.gather.add.f32 [hbm:s1], $0x80, s17, s23, $0xb8;
	[tilespmem:$0x11100] =	vst v63  }
0x80: {  	_ = 	snop  }
0x81: {  	[tilespmem:s9], [sflag:$0x2] =	stream.indirect.gather.add.f32 [hbm:s1], $0x80, s18, s23, $0xb8;
	[tilespmem:$0x11100] =	vst v63  }
0x82: {  	_ =	swait.ge [sflag:s19], $0x4000  }
0x83: {  	[sflag:s19] =	ssyncset.done $0x0  }
0x84: {  	[sflag:s19] =	ssyncadd.s32 $0xFFFFC000  }
0x85: {  	_ =	swait.ge [sflag:s19], $0x4000  }
0x86: {  	[sflag:s19] =	ssyncset.done $0x0  }
0x87: {  	[sflag:s19] =	ssyncadd.s32 $0xFFFFC000  }
0x88: {  	_ =	swait.ge [sflag:s19], $0x4000  }
0x89: {  	[sflag:s19] =	ssyncset.done $0x0  }
0x8a: {  	[sflag:s19] =	ssyncadd.s32 $0xFFFFC000  }
0x8b: {  	_ =	swait.ge [sflag:s19], $0x4000  }
0x8c: {  	[sflag:s19] =	ssyncset.done $0x0  }
0x8d: {  	[sflag:s19] =	ssyncadd.s32 $0xFFFFC000  }
0x8e: {  	_ =	swait.ge [sflag:s19], $0x4000  }
0x8f: {  	[sflag:s19] =	ssyncset.done $0x0  }
0x90: {  	[sflag:s19] =	ssyncadd.s32 $0xFFFFC000  }
0x91: {  	_ =	swait.ge [sflag:s19], $0x4000  }
0x92: {  	[sflag:s19] =	ssyncset.done $0x0  }
0x93: {  	[sflag:s19] =	ssyncadd.s32 $0xFFFFC000  }
0x94: {  	_ =	swait.ge [sflag:s19], $0x4000  }
0x95: {  	[sflag:s19] =	ssyncset.done $0x0  }
0x96: {  	[sflag:s19] =	ssyncadd.s32 $0xFFFFC000  }
0x97: {  	_ =	swait.ge [sflag:s19], $0x4000  }
0x98: {  	[sflag:s19] =	ssyncset.done $0x0  }
0x99: {  	[sflag:s19] =	ssyncadd.s32 $0xFFFFC000  }
0x9a: {  	_ =	swait.ge [sflag:s19], $0x4000  }
0x9b: {  	[sflag:s19] =	ssyncset.done $0x0  }
0x9c: {  	[sflag:s19] =	ssyncadd.s32 $0xFFFFC000  }
0x9d: {  	_ =	swait.ge [sflag:s19], $0x4000  }
0x9e: {  	[sflag:s19] =	ssyncset.done $0x0  }
0x9f: {  	[sflag:s19] =	ssyncadd.s32 $0xFFFFC000  }
0xa0: {  	_ =	swait.ge [sflag:s19], $0x4000  }
0xa1: {  	[sflag:s19] =	ssyncset.done $0x0  }
0xa2: {  	s0 =	simm.s32 $0x0;
	s2 =	rddreg [dreg:$0x9];
	[sflag:s19] =	ssyncadd.s32 $0xFFFFC000  }
0xa3: {  	[tilespmem:s0], [sflag:$0x7] =	stream.linear.gather [hbm4b:s2+s0], $0x80, $0x38;
	[tilespmem:$0x11100] =	vst v63  }
0xa4: {  	s2 =	rddreg [dreg:$0xa]  }
0xa5: {  	[tilespmem:s21], [sflag:$0x7] =	stream.linear.gather [hbm4b:s2+s0], $0x500, $0x38;
	[tilespmem:$0x11100] =	vst v63  }
0xa6: {  	s2 =	rddreg [dreg:$0xb]  }
0xa7: {  	[hbm4b:s2+s0] =	stream.linear.scatter [tilespmem:s24], [sflag:$0x3], $0x4000, $0x38;
	[tilespmem:$0x11100] =	vst v63  }
0xa8: {  	s2 =	rddreg [dreg:$0xc]  }
0xa9: {  	[hbm4b:s2+s0] =	stream.linear.scatter [tilespmem:s25], [sflag:$0x5], $0x4000, $0x38;
	[tilespmem:$0x11100] =	vst v63  }
0xaa: {  	_ =	swait.ge [sflag:s26], $0x4000  }
0xab: {  	[sflag:s26] =	ssyncset.done $0x0  }
0xac: {  	[sflag:s26] =	ssyncadd.s32 $0xFFFFC000  }
0xad: {  	_ =	swait.ge [sflag:s20], $0x4000  }
0xae: {  	[sflag:s20] =	ssyncset.done $0x0  }
0xaf: {  	s0 =	simm.s32 $0x0;
	s2 =	simm.s32 $0x200;
	[sflag:s20] =	ssyncadd.s32 $0xFFFFC000  }
.LBB2_6:
0xb0: {  	p0 =	sne.s32 s2, $0xFE00;
	[tilespmem:s0+$0x9170] =	vst v0  }
0xb1: {  	[tilespmem:s0+$0x9100] =	vst v0  }
0xb2: {  	[tilespmem:s0+$0x9110] =	vst v0  }
.Ltmp2:
0xb3: {  	[tilespmem:s0+$0x9120] =	vst v0;
	(pc) =	sbr.rel @p0 .LBB2_6-.Ltmp2, $4  }
0xb4: {  	[tilespmem:s0+$0x9130] =	vst v0  }
0xb5: {  	[tilespmem:s0+$0x9140] =	vst v0  }
0xb6: {  	[tilespmem:s0+$0x9150] =	vst v0  }
0xb7: {  	[tilespmem:s0+$0x9160] =	vst v0;
	s0 =	sshra.s32 s2, $0x2;
	s2 =	sadd.s32 $0x200, s2  }
0xb8: {  	[tilespmem:s0+$0x9170] =	vst v0  }
0xb9: {  	[tilespmem:s0+$0x9100] =	vst v0  }
0xba: {  	[tilespmem:s0+$0x9110] =	vst v0  }
0xbb: {  	[tilespmem:s0+$0x9120] =	vst v0  }
0xbc: {  	[tilespmem:s0+$0x9130] =	vst v0  }
0xbd: {  	[tilespmem:s0+$0x9140] =	vst v0  }
0xbe: {  	[tilespmem:s0+$0x9150] =	vst v0  }
0xbf: {  	[tilespmem:s0+$0x9160] =	vst v0  }
0xc0: {  	_ =	swait.ge [sflag:s22], $0x80  }
0xc1: {  	[sflag:s22] =	ssyncset.done $0x0  }
0xc2: {  	[sflag:s22] =	ssyncadd.s32 $0xFFFFFF80  }
0xc3: {  	_ =	swait.ge [sflag:s22], $0x500  }
0xc4: {  	[sflag:s22] =	ssyncset.done $0x0  }
0xc5: {  	s0 =	simm.s32 $0x0;
	[sflag:s22] =	ssyncadd.s32 $0xFFFFFB00  }
0xc6: {  	[tilespmem:s24], [sflag:$0x1] =	stream.indirect.gather [hbm4b:s1+s23], $0x80, s0, s23, $0xb8;
	[tilespmem:$0x11100] =	vst v63  }
0xc7: {  	_ = 	snop  }
0xc8: {  	[tilespmem:s25], [sflag:$0x1] =	stream.indirect.gather.add.f32 [hbm:s1], $0x80, s21, s23, $0xb8;
	[tilespmem:$0x11100] =	vst v63  }
0xc9: {  	s2 =	simm.s32 $0x180  }
0xca: {  	[tilespmem:s25], [sflag:$0x1] =	stream.indirect.gather.add.f32 [hbm:s1], $0x80, s2, s23, $0xb8;
	[tilespmem:$0x11100] =	vst v63  }
0xcb: {  	s2 =	simm.s32 $0x200  }
0xcc: {  	[tilespmem:s25], [sflag:$0x1] =	stream.indirect.gather.add.f32 [hbm:s1], $0x80, s2, s23, $0xb8;
	[tilespmem:$0x11100] =	vst v63  }
0xcd: {  	s2 =	simm.s32 $0x280  }
0xce: {  	[tilespmem:s25], [sflag:$0x1] =	stream.indirect.gather.add.f32 [hbm:s1], $0x80, s2, s23, $0xb8;
	[tilespmem:$0x11100] =	vst v63  }
0xcf: {  	s2 =	simm.s32 $0x300  }
0xd0: {  	[tilespmem:s25], [sflag:$0x1] =	stream.indirect.gather.add.f32 [hbm:s1], $0x80, s2, s23, $0xb8;
	[tilespmem:$0x11100] =	vst v63  }
0xd1: {  	s2 =	simm.s32 $0x380  }
0xd2: {  	[tilespmem:s25], [sflag:$0x1] =	stream.indirect.gather.add.f32 [hbm:s1], $0x80, s2, s23, $0xb8;
	[tilespmem:$0x11100] =	vst v63  }
0xd3: {  	s2 =	simm.s32 $0x400  }
0xd4: {  	[tilespmem:s25], [sflag:$0x1] =	stream.indirect.gather.add.f32 [hbm:s1], $0x80, s2, s23, $0xb8;
	[tilespmem:$0x11100] =	vst v63  }
0xd5: {  	s2 =	simm.s32 $0x480  }
0xd6: {  	[tilespmem:s25], [sflag:$0x1] =	stream.indirect.gather.add.f32 [hbm:s1], $0x80, s2, s23, $0xb8;
	[tilespmem:$0x11100] =	vst v63  }
0xd7: {  	_ = 	snop  }
0xd8: {  	[tilespmem:s25], [sflag:$0x1] =	stream.indirect.gather.add.f32 [hbm:s1], $0x80, s4, s23, $0xb8;
	[tilespmem:$0x11100] =	vst v63  }
0xd9: {  	_ = 	snop  }
0xda: {  	[tilespmem:s25], [sflag:$0x1] =	stream.indirect.gather.add.f32 [hbm:s1], $0x80, s5, s23, $0xb8;
	[tilespmem:$0x11100] =	vst v63  }
0xdb: {  	_ =	swait.ge [sflag:s28], $0x4000  }
0xdc: {  	[sflag:s28] =	ssyncset.done $0x0  }
0xdd: {  	[sflag:s28] =	ssyncadd.s32 $0xFFFFC000  }
0xde: {  	_ =	swait.ge [sflag:s28], $0x4000  }
0xdf: {  	[sflag:s28] =	ssyncset.done $0x0  }
0xe0: {  	[sflag:s28] =	ssyncadd.s32 $0xFFFFC000  }
0xe1: {  	_ =	swait.ge [sflag:s28], $0x4000  }
0xe2: {  	[sflag:s28] =	ssyncset.done $0x0  }
0xe3: {  	[sflag:s28] =	ssyncadd.s32 $0xFFFFC000  }
0xe4: {  	_ =	swait.ge [sflag:s28], $0x4000  }
0xe5: {  	[sflag:s28] =	ssyncset.done $0x0  }
0xe6: {  	[sflag:s28] =	ssyncadd.s32 $0xFFFFC000  }
0xe7: {  	_ =	swait.ge [sflag:s28], $0x4000  }
0xe8: {  	[sflag:s28] =	ssyncset.done $0x0  }
0xe9: {  	[sflag:s28] =	ssyncadd.s32 $0xFFFFC000  }
0xea: {  	_ =	swait.ge [sflag:s28], $0x4000  }
0xeb: {  	[sflag:s28] =	ssyncset.done $0x0  }
0xec: {  	[sflag:s28] =	ssyncadd.s32 $0xFFFFC000  }
0xed: {  	_ =	swait.ge [sflag:s28], $0x4000  }
0xee: {  	[sflag:s28] =	ssyncset.done $0x0  }
0xef: {  	[sflag:s28] =	ssyncadd.s32 $0xFFFFC000  }
0xf0: {  	_ =	swait.ge [sflag:s28], $0x4000  }
0xf1: {  	[sflag:s28] =	ssyncset.done $0x0  }
0xf2: {  	[sflag:s28] =	ssyncadd.s32 $0xFFFFC000  }
0xf3: {  	_ =	swait.ge [sflag:s28], $0x4000  }
0xf4: {  	[sflag:s28] =	ssyncset.done $0x0  }
0xf5: {  	[sflag:s28] =	ssyncadd.s32 $0xFFFFC000  }
0xf6: {  	_ =	swait.ge [sflag:s28], $0x4000  }
0xf7: {  	[sflag:s28] =	ssyncset.done $0x0  }
0xf8: {  	[sflag:s28] =	ssyncadd.s32 $0xFFFFC000  }
0xf9: {  	_ =	swait.ge [sflag:s28], $0x4000  }
0xfa: {  	[sflag:s28] =	ssyncset.done $0x0  }
0xfb: {  	s2 =	rddreg [dreg:$0xd];
	[sflag:s28] =	ssyncadd.s32 $0xFFFFC000  }
0xfc: {  	[tilespmem:s23], [sflag:$0x8] =	stream.linear.gather [hbm4b:s2+s0], $0x80, $0x38;
	[tilespmem:$0x11100] =	vst v63  }
0xfd: {  	s2 =	rddreg [dreg:$0xe]  }
0xfe: {  	[tilespmem:s6], [sflag:$0x8] =	stream.linear.gather [hbm4b:s2+s0], $0x500, $0x38;
	[tilespmem:$0x11100] =	vst v63  }
0xff: {  	s2 =	rddreg [dreg:$0xf]  }
0x100: {  	[hbm4b:s2+s0] =	stream.linear.scatter [tilespmem:s8], [sflag:$0x4], $0x4000, $0x38;
	[tilespmem:$0x11100] =	vst v63  }
0x101: {  	s2 =	rddreg [dreg:$0x10]  }
0x102: {  	[hbm4b:s2+s0] =	stream.linear.scatter [tilespmem:s9], [sflag:$0x6], $0x4000, $0x38;
	[tilespmem:$0x11100] =	vst v63  }
0x103: {  	_ =	swait.ge [sflag:s29], $0x4000  }
0x104: {  	[sflag:s29] =	ssyncset.done $0x0  }
0x105: {  	[sflag:s29] =	ssyncadd.s32 $0xFFFFC000  }
0x106: {  	_ =	swait.ge [sflag:s30], $0x4000  }
0x107: {  	[sflag:s30] =	ssyncset.done $0x0  }
0x108: {  	s0 =	simm.s32 $0x0;
	s2 =	simm.s32 $0x200;
	[sflag:s30] =	ssyncadd.s32 $0xFFFFC000  }
.LBB2_8:
0x109: {  	p0 =	sne.s32 s2, $0xFE00;
	[tilespmem:s0+$0xD170] =	vst v0  }
0x10a: {  	[tilespmem:s0+$0xD100] =	vst v0  }
0x10b: {  	[tilespmem:s0+$0xD110] =	vst v0  }
.Ltmp3:
0x10c: {  	[tilespmem:s0+$0xD120] =	vst v0;
	(pc) =	sbr.rel @p0 .LBB2_8-.Ltmp3, $4  }
0x10d: {  	[tilespmem:s0+$0xD130] =	vst v0  }
0x10e: {  	[tilespmem:s0+$0xD140] =	vst v0  }
0x10f: {  	[tilespmem:s0+$0xD150] =	vst v0  }
0x110: {  	[tilespmem:s0+$0xD160] =	vst v0;
	s0 =	sshra.s32 s2, $0x2;
	s2 =	sadd.s32 $0x200, s2  }
0x111: {  	[tilespmem:s0+$0xD170] =	vst v0  }
0x112: {  	[tilespmem:s0+$0xD100] =	vst v0  }
0x113: {  	[tilespmem:s0+$0xD110] =	vst v0  }
0x114: {  	[tilespmem:s0+$0xD120] =	vst v0  }
0x115: {  	[tilespmem:s0+$0xD130] =	vst v0  }
0x116: {  	[tilespmem:s0+$0xD140] =	vst v0  }
0x117: {  	[tilespmem:s0+$0xD150] =	vst v0  }
0x118: {  	[tilespmem:s0+$0xD160] =	vst v0  }
0x119: {  	_ =	swait.ge [sflag:s7], $0x80  }
0x11a: {  	[sflag:s7] =	ssyncset.done $0x0  }
0x11b: {  	[sflag:s7] =	ssyncadd.s32 $0xFFFFFF80  }
0x11c: {  	_ =	swait.ge [sflag:s7], $0x500  }
0x11d: {  	[sflag:s7] =	ssyncset.done $0x0  }
0x11e: {  	[sflag:s7] =	ssyncadd.s32 $0xFFFFFB00  }
0x11f: {  	[tilespmem:s8], [sflag:$0x2] =	stream.indirect.gather [hbm4b:s1+s23], $0x80, s23, s23, $0xb8;
	[tilespmem:$0x11100] =	vst v63  }
0x120: {  	_ = 	snop  }
0x121: {  	[tilespmem:s9], [sflag:$0x2] =	stream.indirect.gather.add.f32 [hbm:s1], $0x80, s6, s23, $0xb8;
	[tilespmem:$0x11100] =	vst v63  }
0x122: {  	_ = 	snop  }
0x123: {  	[tilespmem:s9], [sflag:$0x2] =	stream.indirect.gather.add.f32 [hbm:s1], $0x80, s10, s23, $0xb8;
	[tilespmem:$0x11100] =	vst v63  }
0x124: {  	_ = 	snop  }
0x125: {  	[tilespmem:s9], [sflag:$0x2] =	stream.indirect.gather.add.f32 [hbm:s1], $0x80, s11, s23, $0xb8;
	[tilespmem:$0x11100] =	vst v63  }
0x126: {  	_ = 	snop  }
0x127: {  	[tilespmem:s9], [sflag:$0x2] =	stream.indirect.gather.add.f32 [hbm:s1], $0x80, s12, s23, $0xb8;
	[tilespmem:$0x11100] =	vst v63  }
0x128: {  	_ = 	snop  }
0x129: {  	[tilespmem:s9], [sflag:$0x2] =	stream.indirect.gather.add.f32 [hbm:s1], $0x80, s13, s23, $0xb8;
	[tilespmem:$0x11100] =	vst v63  }
0x12a: {  	_ = 	snop  }
0x12b: {  	[tilespmem:s9], [sflag:$0x2] =	stream.indirect.gather.add.f32 [hbm:s1], $0x80, s14, s23, $0xb8;
	[tilespmem:$0x11100] =	vst v63  }
0x12c: {  	_ = 	snop  }
0x12d: {  	[tilespmem:s9], [sflag:$0x2] =	stream.indirect.gather.add.f32 [hbm:s1], $0x80, s15, s23, $0xb8;
	[tilespmem:$0x11100] =	vst v63  }
0x12e: {  	_ = 	snop  }
0x12f: {  	[tilespmem:s9], [sflag:$0x2] =	stream.indirect.gather.add.f32 [hbm:s1], $0x80, s16, s23, $0xb8;
	[tilespmem:$0x11100] =	vst v63  }
0x130: {  	_ = 	snop  }
0x131: {  	[tilespmem:s9], [sflag:$0x2] =	stream.indirect.gather.add.f32 [hbm:s1], $0x80, s17, s23, $0xb8;
	[tilespmem:$0x11100] =	vst v63  }
0x132: {  	_ = 	snop  }
0x133: {  	[tilespmem:s9], [sflag:$0x2] =	stream.indirect.gather.add.f32 [hbm:s1], $0x80, s18, s23, $0xb8;
	[tilespmem:$0x11100] =	vst v63  }
0x134: {  	_ =	swait.ge [sflag:s19], $0x4000  }
0x135: {  	[sflag:s19] =	ssyncset.done $0x0  }
0x136: {  	[sflag:s19] =	ssyncadd.s32 $0xFFFFC000  }
0x137: {  	_ =	swait.ge [sflag:s19], $0x4000  }
0x138: {  	[sflag:s19] =	ssyncset.done $0x0  }
0x139: {  	[sflag:s19] =	ssyncadd.s32 $0xFFFFC000  }
0x13a: {  	_ =	swait.ge [sflag:s19], $0x4000  }
0x13b: {  	[sflag:s19] =	ssyncset.done $0x0  }
0x13c: {  	[sflag:s19] =	ssyncadd.s32 $0xFFFFC000  }
0x13d: {  	_ =	swait.ge [sflag:s19], $0x4000  }
0x13e: {  	[sflag:s19] =	ssyncset.done $0x0  }
0x13f: {  	[sflag:s19] =	ssyncadd.s32 $0xFFFFC000  }
0x140: {  	_ =	swait.ge [sflag:s19], $0x4000  }
0x141: {  	[sflag:s19] =	ssyncset.done $0x0  }
0x142: {  	[sflag:s19] =	ssyncadd.s32 $0xFFFFC000  }
0x143: {  	_ =	swait.ge [sflag:s19], $0x4000  }
0x144: {  	[sflag:s19] =	ssyncset.done $0x0  }
0x145: {  	[sflag:s19] =	ssyncadd.s32 $0xFFFFC000  }
0x146: {  	_ =	swait.ge [sflag:s19], $0x4000  }
0x147: {  	[sflag:s19] =	ssyncset.done $0x0  }
0x148: {  	[sflag:s19] =	ssyncadd.s32 $0xFFFFC000  }
0x149: {  	_ =	swait.ge [sflag:s19], $0x4000  }
0x14a: {  	[sflag:s19] =	ssyncset.done $0x0  }
0x14b: {  	[sflag:s19] =	ssyncadd.s32 $0xFFFFC000  }
0x14c: {  	_ =	swait.ge [sflag:s19], $0x4000  }
0x14d: {  	[sflag:s19] =	ssyncset.done $0x0  }
0x14e: {  	[sflag:s19] =	ssyncadd.s32 $0xFFFFC000  }
0x14f: {  	_ =	swait.ge [sflag:s19], $0x4000  }
0x150: {  	[sflag:s19] =	ssyncset.done $0x0  }
0x151: {  	[sflag:s19] =	ssyncadd.s32 $0xFFFFC000  }
0x152: {  	_ =	swait.ge [sflag:s19], $0x4000  }
0x153: {  	[sflag:s19] =	ssyncset.done $0x0  }
0x154: {  	s2 =	rddreg [dreg:$0x11];
	[sflag:s19] =	ssyncadd.s32 $0xFFFFC000  }
0x155: {  	[hbm4b:s2+s3] =	stream.linear.scatter [tilespmem:s24], [sflag:$0x3], $0x4000, $0x38;
	[tilespmem:$0x11100] =	vst v63  }
0x156: {  	s2 =	rddreg [dreg:$0x12]  }
0x157: {  	[hbm4b:s2+s3] =	stream.linear.scatter [tilespmem:s25], [sflag:$0x5], $0x4000, $0x38;
	[tilespmem:$0x11100] =	vst v63  }
0x158: {  	_ =	swait.ge [sflag:s28], $0x4000  }
0x159: {  	[sflag:s28] =	ssyncset.done $0x0  }
0x15a: {  	[sflag:s28] =	ssyncadd.s32 $0xFFFFC000  }
0x15b: {  	_ =	swait.ge [sflag:s28], $0x4000  }
0x15c: {  	[sflag:s28] =	ssyncset.done $0x0  }
0x15d: {  	[sflag:s28] =	ssyncadd.s32 $0xFFFFC000  }
0x15e: {  	_ =	swait.ge [sflag:s28], $0x4000  }
0x15f: {  	[sflag:s28] =	ssyncset.done $0x0  }
0x160: {  	[sflag:s28] =	ssyncadd.s32 $0xFFFFC000  }
0x161: {  	_ =	swait.ge [sflag:s28], $0x4000  }
0x162: {  	[sflag:s28] =	ssyncset.done $0x0  }
0x163: {  	[sflag:s28] =	ssyncadd.s32 $0xFFFFC000  }
0x164: {  	_ =	swait.ge [sflag:s28], $0x4000  }
0x165: {  	[sflag:s28] =	ssyncset.done $0x0  }
0x166: {  	[sflag:s28] =	ssyncadd.s32 $0xFFFFC000  }
0x167: {  	_ =	swait.ge [sflag:s28], $0x4000  }
0x168: {  	[sflag:s28] =	ssyncset.done $0x0  }
0x169: {  	[sflag:s28] =	ssyncadd.s32 $0xFFFFC000  }
0x16a: {  	_ =	swait.ge [sflag:s28], $0x4000  }
0x16b: {  	[sflag:s28] =	ssyncset.done $0x0  }
0x16c: {  	[sflag:s28] =	ssyncadd.s32 $0xFFFFC000  }
0x16d: {  	_ =	swait.ge [sflag:s28], $0x4000  }
0x16e: {  	[sflag:s28] =	ssyncset.done $0x0  }
0x16f: {  	[sflag:s28] =	ssyncadd.s32 $0xFFFFC000  }
0x170: {  	_ =	swait.ge [sflag:s28], $0x4000  }
0x171: {  	[sflag:s28] =	ssyncset.done $0x0  }
0x172: {  	[sflag:s28] =	ssyncadd.s32 $0xFFFFC000  }
0x173: {  	_ =	swait.ge [sflag:s28], $0x4000  }
0x174: {  	[sflag:s28] =	ssyncset.done $0x0  }
0x175: {  	[sflag:s28] =	ssyncadd.s32 $0xFFFFC000  }
0x176: {  	_ =	swait.ge [sflag:s28], $0x4000  }
0x177: {  	[sflag:s28] =	ssyncset.done $0x0  }
0x178: {  	s2 =	rddreg [dreg:$0x13];
	[sflag:s28] =	ssyncadd.s32 $0xFFFFC000  }
0x179: {  	[hbm4b:s2+s3] =	stream.linear.scatter [tilespmem:s8], [sflag:$0x4], $0x4000, $0x38;
	[tilespmem:$0x11100] =	vst v63  }
0x17a: {  	s2 =	rddreg [dreg:$0x14]  }
0x17b: {  	[hbm4b:s2+s3] =	stream.linear.scatter [tilespmem:s9], [sflag:$0x6], $0x4000, $0x38;
	[tilespmem:$0x11100] =	vst v63  }
0x17c: {  	_ =	swait.ge [sflag:s26], $0x4000  }
0x17d: {  	[sflag:s26] =	ssyncset.done $0x0  }
0x17e: {  	[sflag:s26] =	ssyncadd.s32 $0xFFFFC000  }
0x17f: {  	_ =	swait.ge [sflag:s20], $0x4000  }
0x180: {  	[sflag:s20] =	ssyncset.done $0x0  }
0x181: {  	[sflag:s20] =	ssyncadd.s32 $0xFFFFC000  }
0x182: {  	_ =	swait.ge [sflag:s29], $0x4000  }
0x183: {  	[sflag:s29] =	ssyncset.done $0x0  }
0x184: {  	[sflag:s29] =	ssyncadd.s32 $0xFFFFC000  }
0x185: {  	_ =	swait.ge [sflag:s30], $0x4000  }
0x186: {  	s31 =	sadd.s32 $0x1, s31;
	s2 =	rddreg [dreg:$0x15]  }
0x187: {  	p0 =	sne.s32 s31, s2  }
.Ltmp4:
0x188: {  	_ = 	snop;
	(pc) =	sbr.rel @p0 .LBB2_1-.Ltmp4, $3  }
0x189: {  	_ =	sdelay $0x1  }
0x18a: {  	[sflag:s30] =	ssyncset.done $0x0  }
0x18b: {  	[sflag:s30] =	ssyncadd.s32 $0xFFFFC000  }
0x18c: {  	_ =	sfence.sel $0x180000  }
0x18d: {  	[bflag:$0x0] =	sbarrier.arrive $0xFFFF  }
0x18e: {  	_ =	strace $0x90000047  }
0x18f: {  	s0 =	stileid.u32;
	[bflag:$0x2] =	sbarrier.arrive $0xFFFF  }
0x190: {  	p0 =	sne.s32 s0, $0x0;
	s0 =	rddreg [dreg:$0x4]  }
0x191: {  	s0 =	sadd.s32 @!p0 $0x100000, s0  }
0x192: {  	[sflag:s0] =	ssyncadd.tile.s32 @!p0 $0x1;
	_ =	shalt  }
.Lfunc_end2:
_tile_overlayer_lowered:
.L_overlay_start_2:
0x193: {  	(tag) =	ssettag $0x2  }
0x194: {  	s0 =	rddreg [dreg:$0x0];
	s2 =	stileid.u32  }
0x195: {  	s1 =	rddreg [dreg:$0x1];
	p0 =	sne.s32 s2, $0x0  }
0x196: {  	s3 =	rddreg [dreg:$0x2];
	[bflag:$0x3] =	sbarrier.arrive $0xFFFF;
	s2 =	simm.s32 @!p0 $0x1C09  }
0x197: {  	[timem:s3], [sflag:s2] =	dma.local @!p0 [hbm:s0], s1  }
0x198: {  	s0 =	simm.s32 @!p0 $0x9  }
0x199: {  	_ =	swait.ge @!p0 [sflag:s0], s1  }
0x19a: {  	s1 =	ssub.s32 @!p0 $0x0, s1;
	[sflag:s0] =	ssyncset.done @!p0 $0x0  }
0x19b: {  	[sflag:s0] =	ssyncadd.s32 @!p0 s1  }
0x19c: {  	[bflag:$0x3] =	sbarrier.arrive $0xFFFF  }
0x19d: {  	_ =	shalt  }

</sc_bundles>
